<compile_context>
chip_gen: v7x
topology: tpu7x:2x2x1
jax: 0.10.2.dev20260603
libtpu: 0.0.44.dev20260713+nightly
codegen_flags: <defaults>
</compile_context>

<pallas_src>
import jax
import jax.numpy as jnp
from jax import lax
from jax.experimental import pallas as pl
from jax.experimental.pallas import tpu as pltpu
from jax.experimental.pallas import tpu_sc as plsc

N_NODES = 10000
D = 128
N_EDGES = 320000

NC = 2
NS = 16
NW = NC * NS
E_PER_W = N_EDGES // NW
CHUNK = 16
N_GROUPS = CHUNK // 16
RING = 5

N_CHUNKS = E_PER_W // CHUNK
assert N_CHUNKS % RING == 0


def _dot_chunk(u_rows, v_rows, out_v, out_base):
    rows = [lax.iota(jnp.int32, 16) + g * 16 for g in range(N_GROUPS)]

    def body(d, accs):
        col = jnp.full((16,), d, dtype=jnp.int32)
        new = []
        for g in range(N_GROUPS):
            gu = plsc.load_gather(u_rows, [rows[g], col])
            gv = plsc.load_gather(v_rows, [rows[g], col])
            new.append(accs[g] + gu * gv)
        return tuple(new)

    accs = lax.fori_loop(0, D, body,
                         tuple(jnp.zeros((16,), jnp.float32)
                               for _ in range(N_GROUPS)))
    for g in range(N_GROUPS):
        out_v[pl.ds(out_base + g * 16, 16)] = accs[g]


def _sc_kernel(h_hbm, u_hbm, v_hbm, out_hbm,
               h_sp, u_idx, v_idx,
               u_b0, u_b1, u_b2, u_b3, u_b4, v_b0, v_b1, v_b2, v_b3, v_b4,
               out_v, sem0, sem1, sem2, sem3, sem4):
    u_bufs = [u_b0, u_b1, u_b2, u_b3, u_b4]
    v_bufs = [v_b0, v_b1, v_b2, v_b3, v_b4]
    sems = [sem0, sem1, sem2, sem3, sem4]

    sid = lax.axis_index("s")
    wid = sid * NC + lax.axis_index("c")
    base = wid * E_PER_W

    @pl.when(sid == 0)
    def _stage_h():
        pltpu.sync_copy(h_hbm, h_sp)

    pltpu.sync_copy(u_hbm.at[pl.ds(base, E_PER_W)], u_idx)
    pltpu.sync_copy(v_hbm.at[pl.ds(base, E_PER_W)], v_idx)
    plsc.subcore_barrier()

    def issue(c, slot):
        off = c * CHUNK
        pltpu.async_copy(h_sp.at[u_idx.at[pl.ds(off, CHUNK)]],
                         u_bufs[slot], sems[slot])
        pltpu.async_copy(h_sp.at[v_idx.at[pl.ds(off, CHUNK)]],
                         v_bufs[slot], sems[slot])

    def wait(slot):
        dummy = h_hbm.at[pl.ds(0, CHUNK)]
        pltpu.make_async_copy(dummy, u_bufs[slot], sems[slot]).wait()
        pltpu.make_async_copy(dummy, v_bufs[slot], sems[slot]).wait()

    for j in range(RING - 1):
        issue(j, j)

    def ring_body(i, carry):
        c0 = i * RING
        for j in range(RING):
            c = c0 + j
            nxt = c + RING - 1

            @pl.when(nxt < N_CHUNKS)
            def _issue_next():
                issue(nxt, (j + RING - 1) % RING)

            wait(j)
            _dot_chunk(u_bufs[j], v_bufs[j], out_v, c * CHUNK)
        return carry

    lax.fori_loop(0, N_CHUNKS // RING, ring_body, 0)

    pltpu.sync_copy(out_v, out_hbm.at[pl.ds(base, E_PER_W)])


@jax.jit
def _run(h, u, v):
    mesh = plsc.VectorSubcoreMesh(core_axis_name="c", subcore_axis_name="s",
                                  num_cores=NC, num_subcores=NS)
    return pl.kernel(
        _sc_kernel,
        out_type=jax.ShapeDtypeStruct((N_EDGES,), jnp.float32),
        mesh=mesh,
        scratch_types=[
            pltpu.VMEM_SHARED((N_NODES, D), jnp.float32),
            pltpu.VMEM((E_PER_W,), jnp.int32),
            pltpu.VMEM((E_PER_W,), jnp.int32),
            pltpu.VMEM((CHUNK, D), jnp.float32),
            pltpu.VMEM((CHUNK, D), jnp.float32),
            pltpu.VMEM((CHUNK, D), jnp.float32),
            pltpu.VMEM((CHUNK, D), jnp.float32),
            pltpu.VMEM((CHUNK, D), jnp.float32),
            pltpu.VMEM((CHUNK, D), jnp.float32),
            pltpu.VMEM((CHUNK, D), jnp.float32),
            pltpu.VMEM((CHUNK, D), jnp.float32),
            pltpu.VMEM((CHUNK, D), jnp.float32),
            pltpu.VMEM((CHUNK, D), jnp.float32),
            pltpu.VMEM((E_PER_W,), jnp.float32),
            pltpu.SemaphoreType.DMA,
            pltpu.SemaphoreType.DMA,
            pltpu.SemaphoreType.DMA,
            pltpu.SemaphoreType.DMA,
            pltpu.SemaphoreType.DMA,
        ],
        compiler_params=pltpu.CompilerParams(needs_layout_passes=False),
    )(h, u, v)


def kernel(g, h, u, v):
    return _run(h, u.astype(jnp.int32), v.astype(jnp.int32))

# --- scband reference (transcript-rebuilt; emitter-appended) ---
"""Pipeline reference for scband-dot-predictor-37151467111006 (READ-ONLY COPY).

The authoritative reference and input builder live on the scoring server;
editing this copy changes nothing except your own understanding.
"""

import jax, jax.numpy as jnp
import numpy as np

N_NODES = 10000
D_FEAT = 128
N_EDGES = 320000

def setup_inputs(seed: int = 0) -> dict:
    key = jax.random.key(seed)
    k_h, k_u, k_v = jax.random.split(key, 3)
    h = jax.random.normal(k_h, (N_NODES, D_FEAT), dtype=jnp.float32)
    u = jax.random.randint(k_u, (N_EDGES,), 0, N_NODES, dtype=jnp.int64)
    v = jax.random.randint(k_v, (N_EDGES,), 0, N_NODES, dtype=jnp.int64)
    g = 0  # unused graph placeholder
    return {"g": g, "h": h, "u": u, "v": v}

def reference(g, h, u, v):
    # (h[u] * h[v]).sum(dim=1)
    hu = jnp.take(h, u, axis=0)
    hv = jnp.take(h, v, axis=0)
    return (hu * hv).sum(axis=1)

if __name__ == "__main__":
    import jax
    _d = setup_inputs()
    print(jax.jit(kernel)(*tuple(_d.values())))

</pallas_src>

<mosaic_0001>
#map = affine_map<(d0, d1) -> (0, 0)>
#map1 = affine_map<(d0, d1) -> (0)>
module attributes {stable_mosaic.version = 14 : i64} {
  func.func @_sc_kernel(%arg0: i32, %arg1: i32, %arg2: memref<10000x128xf32, #tpu.memory_space<hbm>>, %arg3: memref<320000xi32, #tpu.memory_space<hbm>>, %arg4: memref<320000xi32, #tpu.memory_space<hbm>>, %arg5: memref<320000xf32, #tpu.memory_space<hbm>>, %arg6: memref<10000x128xf32, #tpu.memory_space<vmem_shared>>, %arg7: memref<10000xi32, #tpu.memory_space<vmem>>, %arg8: memref<10000xi32, #tpu.memory_space<vmem>>, %arg9: memref<16x128xf32, #tpu.memory_space<vmem>>, %arg10: memref<16x128xf32, #tpu.memory_space<vmem>>, %arg11: memref<16x128xf32, #tpu.memory_space<vmem>>, %arg12: memref<16x128xf32, #tpu.memory_space<vmem>>, %arg13: memref<16x128xf32, #tpu.memory_space<vmem>>, %arg14: memref<16x128xf32, #tpu.memory_space<vmem>>, %arg15: memref<16x128xf32, #tpu.memory_space<vmem>>, %arg16: memref<16x128xf32, #tpu.memory_space<vmem>>, %arg17: memref<16x128xf32, #tpu.memory_space<vmem>>, %arg18: memref<16x128xf32, #tpu.memory_space<vmem>>, %arg19: memref<10000xf32, #tpu.memory_space<vmem>>, %arg20: memref<!tpu.dma_semaphore, #tpu.memory_space<semaphore_mem>>, %arg21: memref<!tpu.dma_semaphore, #tpu.memory_space<semaphore_mem>>, %arg22: memref<!tpu.dma_semaphore, #tpu.memory_space<semaphore_mem>>, %arg23: memref<!tpu.dma_semaphore, #tpu.memory_space<semaphore_mem>>, %arg24: memref<!tpu.dma_semaphore, #tpu.memory_space<semaphore_mem>>) attributes {dimension_semantics = [#tpu.dimension_semantics<core_parallel>, #tpu.dimension_semantics<subcore_parallel>], iteration_bounds = array<i64: 2, 16>, scalar_prefetch = 0 : i64, scratch_operands = 19 : i64, tpu.core_type = #tpu.core_type<sc_vector_subcore>, window_params = [{transform_indices = #map}, {transform_indices = #map1}, {transform_indices = #map1}, {transform_indices = #map1}]} {
    %mul3A = arith.constant 2 : i32
    %mul3A_0 = arith.muli %arg1, %mul3A : i32
    %add3A = arith.addi %mul3A_0, %arg0 : i32
    %mul3A_1 = arith.constant 10000 : i32
    %mul3A_2 = arith.muli %add3A, %mul3A_1 : i32
    %eq3A = arith.constant 0 : i32
    %eq3A_3 = arith.cmpi eq, %arg1, %eq3A : i32
    %convert_element_type3A = arith.extui %eq3A_3 : i1 to i32
    %cond3A = arith.constant 0 : i32
    %cond3A_4 = arith.cmpi ne, %convert_element_type3A, %cond3A : i32
    scf.if %cond3A_4 {
      "tpu.region"() ({
        %run_scoped3A = tpu.sem_alloc : memref<!tpu.dma_semaphore, #tpu.memory_space<semaphore_mem>>
        tpu.enqueue_dma source(%arg2 : memref<10000x128xf32, #tpu.memory_space<hbm>>) target(%arg6 : memref<10000x128xf32, #tpu.memory_space<vmem_shared>>) target_semaphore(%run_scoped3A : memref<!tpu.dma_semaphore, #tpu.memory_space<semaphore_mem>>)
        tpu.wait_dma2 semaphore(%run_scoped3A : memref<!tpu.dma_semaphore, #tpu.memory_space<semaphore_mem>>) src(%arg2 : memref<10000x128xf32, #tpu.memory_space<hbm>>) dst(%arg6 : memref<10000x128xf32, #tpu.memory_space<vmem_shared>>)
        tpu.yield
      }) : () -> ()
    } else {
    }
    "tpu.region"() ({
      %run_scoped3A = tpu.sem_alloc : memref<!tpu.dma_semaphore, #tpu.memory_space<semaphore_mem>>
      %dma_start3A_49 = tpu.memref_slice %arg3[%mul3A_2] : memref<320000xi32, #tpu.memory_space<hbm>> -> memref<10000xi32, #tpu.memory_space<hbm>>
      %dma_start3A_50 = tpu.memref_slice %arg3[%mul3A_2] : memref<320000xi32, #tpu.memory_space<hbm>> -> memref<10000xi32, #tpu.memory_space<hbm>>
      tpu.enqueue_dma source(%dma_start3A_50 : memref<10000xi32, #tpu.memory_space<hbm>>) target(%arg7 : memref<10000xi32, #tpu.memory_space<vmem>>) target_semaphore(%run_scoped3A : memref<!tpu.dma_semaphore, #tpu.memory_space<semaphore_mem>>)
      %dma_wait3A = tpu.memref_slice %arg3[%mul3A_2] : memref<320000xi32, #tpu.memory_space<hbm>> -> memref<10000xi32, #tpu.memory_space<hbm>>
      %dma_wait3A_51 = tpu.memref_slice %arg3[%mul3A_2] : memref<320000xi32, #tpu.memory_space<hbm>> -> memref<10000xi32, #tpu.memory_space<hbm>>
      tpu.wait_dma2 semaphore(%run_scoped3A : memref<!tpu.dma_semaphore, #tpu.memory_space<semaphore_mem>>) src(%dma_wait3A_51 : memref<10000xi32, #tpu.memory_space<hbm>>) dst(%arg7 : memref<10000xi32, #tpu.memory_space<vmem>>)
      tpu.yield
    }) : () -> ()
    "tpu.region"() ({
      %run_scoped3A = tpu.sem_alloc : memref<!tpu.dma_semaphore, #tpu.memory_space<semaphore_mem>>
      %dma_start3A_49 = tpu.memref_slice %arg4[%mul3A_2] : memref<320000xi32, #tpu.memory_space<hbm>> -> memref<10000xi32, #tpu.memory_space<hbm>>
      %dma_start3A_50 = tpu.memref_slice %arg4[%mul3A_2] : memref<320000xi32, #tpu.memory_space<hbm>> -> memref<10000xi32, #tpu.memory_space<hbm>>
      tpu.enqueue_dma source(%dma_start3A_50 : memref<10000xi32, #tpu.memory_space<hbm>>) target(%arg8 : memref<10000xi32, #tpu.memory_space<vmem>>) target_semaphore(%run_scoped3A : memref<!tpu.dma_semaphore, #tpu.memory_space<semaphore_mem>>)
      %dma_wait3A = tpu.memref_slice %arg4[%mul3A_2] : memref<320000xi32, #tpu.memory_space<hbm>> -> memref<10000xi32, #tpu.memory_space<hbm>>
      %dma_wait3A_51 = tpu.memref_slice %arg4[%mul3A_2] : memref<320000xi32, #tpu.memory_space<hbm>> -> memref<10000xi32, #tpu.memory_space<hbm>>
      tpu.wait_dma2 semaphore(%run_scoped3A : memref<!tpu.dma_semaphore, #tpu.memory_space<semaphore_mem>>) src(%dma_wait3A_51 : memref<10000xi32, #tpu.memory_space<hbm>>) dst(%arg8 : memref<10000xi32, #tpu.memory_space<vmem>>)
      tpu.yield
    }) : () -> ()
    %barrier3A = arith.constant 0 : index
    tpu.barrier barrier_id(%barrier3A)
    %dma_start3A = arith.constant 0 : i32
    %dma_start3A_5 = tpu.memref_slice %arg7[%dma_start3A] : memref<10000xi32, #tpu.memory_space<vmem>> -> memref<16xi32, #tpu.memory_space<vmem>>
    %dma_start3A_6 = arith.constant 0 : i32
    %dma_start3A_7 = arith.constant 0 : i32
    %dma_start3A_8 = tpu.memref_slice %arg6[%dma_start3A_6, %dma_start3A_7] : memref<10000x128xf32, #tpu.memory_space<vmem_shared>> -> memref<10000x128xf32, #tpu.memory_space<vmem_shared>>
    tpu.enqueue_indirect_dma source(%dma_start3A_8 : memref<10000x128xf32, #tpu.memory_space<vmem_shared>>) target(%arg9 : memref<16x128xf32, #tpu.memory_space<vmem>>) offsets(%dma_start3A_5 : memref<16xi32, #tpu.memory_space<vmem>>) semaphore(%arg20 : memref<!tpu.dma_semaphore, #tpu.memory_space<semaphore_mem>>)
    %dma_start3A_9 = arith.constant 0 : i32
    %dma_start3A_10 = tpu.memref_slice %arg8[%dma_start3A_9] : memref<10000xi32, #tpu.memory_space<vmem>> -> memref<16xi32, #tpu.memory_space<vmem>>
    %dma_start3A_11 = arith.constant 0 : i32
    %dma_start3A_12 = arith.constant 0 : i32
    %dma_start3A_13 = tpu.memref_slice %arg6[%dma_start3A_11, %dma_start3A_12] : memref<10000x128xf32, #tpu.memory_space<vmem_shared>> -> memref<10000x128xf32, #tpu.memory_space<vmem_shared>>
    tpu.enqueue_indirect_dma source(%dma_start3A_13 : memref<10000x128xf32, #tpu.memory_space<vmem_shared>>) target(%arg14 : memref<16x128xf32, #tpu.memory_space<vmem>>) offsets(%dma_start3A_10 : memref<16xi32, #tpu.memory_space<vmem>>) semaphore(%arg20 : memref<!tpu.dma_semaphore, #tpu.memory_space<semaphore_mem>>)
    %dma_start3A_14 = arith.constant 16 : i32
    %dma_start3A_15 = tpu.memref_slice %arg7[%dma_start3A_14] : memref<10000xi32, #tpu.memory_space<vmem>> -> memref<16xi32, #tpu.memory_space<vmem>>
    %dma_start3A_16 = arith.constant 0 : i32
    %dma_start3A_17 = arith.constant 0 : i32
    %dma_start3A_18 = tpu.memref_slice %arg6[%dma_start3A_16, %dma_start3A_17] : memref<10000x128xf32, #tpu.memory_space<vmem_shared>> -> memref<10000x128xf32, #tpu.memory_space<vmem_shared>>
    tpu.enqueue_indirect_dma source(%dma_start3A_18 : memref<10000x128xf32, #tpu.memory_space<vmem_shared>>) target(%arg10 : memref<16x128xf32, #tpu.memory_space<vmem>>) offsets(%dma_start3A_15 : memref<16xi32, #tpu.memory_space<vmem>>) semaphore(%arg21 : memref<!tpu.dma_semaphore, #tpu.memory_space<semaphore_mem>>)
    %dma_start3A_19 = arith.constant 16 : i32
    %dma_start3A_20 = tpu.memref_slice %arg8[%dma_start3A_19] : memref<10000xi32, #tpu.memory_space<vmem>> -> memref<16xi32, #tpu.memory_space<vmem>>
    %dma_start3A_21 = arith.constant 0 : i32
    %dma_start3A_22 = arith.constant 0 : i32
    %dma_start3A_23 = tpu.memref_slice %arg6[%dma_start3A_21, %dma_start3A_22] : memref<10000x128xf32, #tpu.memory_space<vmem_shared>> -> memref<10000x128xf32, #tpu.memory_space<vmem_shared>>
    tpu.enqueue_indirect_dma source(%dma_start3A_23 : memref<10000x128xf32, #tpu.memory_space<vmem_shared>>) target(%arg15 : memref<16x128xf32, #tpu.memory_space<vmem>>) offsets(%dma_start3A_20 : memref<16xi32, #tpu.memory_space<vmem>>) semaphore(%arg21 : memref<!tpu.dma_semaphore, #tpu.memory_space<semaphore_mem>>)
    %dma_start3A_24 = arith.constant 32 : i32
    %dma_start3A_25 = tpu.memref_slice %arg7[%dma_start3A_24] : memref<10000xi32, #tpu.memory_space<vmem>> -> memref<16xi32, #tpu.memory_space<vmem>>
    %dma_start3A_26 = arith.constant 0 : i32
    %dma_start3A_27 = arith.constant 0 : i32
    %dma_start3A_28 = tpu.memref_slice %arg6[%dma_start3A_26, %dma_start3A_27] : memref<10000x128xf32, #tpu.memory_space<vmem_shared>> -> memref<10000x128xf32, #tpu.memory_space<vmem_shared>>
    tpu.enqueue_indirect_dma source(%dma_start3A_28 : memref<10000x128xf32, #tpu.memory_space<vmem_shared>>) target(%arg11 : memref<16x128xf32, #tpu.memory_space<vmem>>) offsets(%dma_start3A_25 : memref<16xi32, #tpu.memory_space<vmem>>) semaphore(%arg22 : memref<!tpu.dma_semaphore, #tpu.memory_space<semaphore_mem>>)
    %dma_start3A_29 = arith.constant 32 : i32
    %dma_start3A_30 = tpu.memref_slice %arg8[%dma_start3A_29] : memref<10000xi32, #tpu.memory_space<vmem>> -> memref<16xi32, #tpu.memory_space<vmem>>
    %dma_start3A_31 = arith.constant 0 : i32
    %dma_start3A_32 = arith.constant 0 : i32
    %dma_start3A_33 = tpu.memref_slice %arg6[%dma_start3A_31, %dma_start3A_32] : memref<10000x128xf32, #tpu.memory_space<vmem_shared>> -> memref<10000x128xf32, #tpu.memory_space<vmem_shared>>
    tpu.enqueue_indirect_dma source(%dma_start3A_33 : memref<10000x128xf32, #tpu.memory_space<vmem_shared>>) target(%arg16 : memref<16x128xf32, #tpu.memory_space<vmem>>) offsets(%dma_start3A_30 : memref<16xi32, #tpu.memory_space<vmem>>) semaphore(%arg22 : memref<!tpu.dma_semaphore, #tpu.memory_space<semaphore_mem>>)
    %dma_start3A_34 = arith.constant 48 : i32
    %dma_start3A_35 = tpu.memref_slice %arg7[%dma_start3A_34] : memref<10000xi32, #tpu.memory_space<vmem>> -> memref<16xi32, #tpu.memory_space<vmem>>
    %dma_start3A_36 = arith.constant 0 : i32
    %dma_start3A_37 = arith.constant 0 : i32
    %dma_start3A_38 = tpu.memref_slice %arg6[%dma_start3A_36, %dma_start3A_37] : memref<10000x128xf32, #tpu.memory_space<vmem_shared>> -> memref<10000x128xf32, #tpu.memory_space<vmem_shared>>
    tpu.enqueue_indirect_dma source(%dma_start3A_38 : memref<10000x128xf32, #tpu.memory_space<vmem_shared>>) target(%arg12 : memref<16x128xf32, #tpu.memory_space<vmem>>) offsets(%dma_start3A_35 : memref<16xi32, #tpu.memory_space<vmem>>) semaphore(%arg23 : memref<!tpu.dma_semaphore, #tpu.memory_space<semaphore_mem>>)
    %dma_start3A_39 = arith.constant 48 : i32
    %dma_start3A_40 = tpu.memref_slice %arg8[%dma_start3A_39] : memref<10000xi32, #tpu.memory_space<vmem>> -> memref<16xi32, #tpu.memory_space<vmem>>
    %dma_start3A_41 = arith.constant 0 : i32
    %dma_start3A_42 = arith.constant 0 : i32
    %dma_start3A_43 = tpu.memref_slice %arg6[%dma_start3A_41, %dma_start3A_42] : memref<10000x128xf32, #tpu.memory_space<vmem_shared>> -> memref<10000x128xf32, #tpu.memory_space<vmem_shared>>
    tpu.enqueue_indirect_dma source(%dma_start3A_43 : memref<10000x128xf32, #tpu.memory_space<vmem_shared>>) target(%arg17 : memref<16x128xf32, #tpu.memory_space<vmem>>) offsets(%dma_start3A_40 : memref<16xi32, #tpu.memory_space<vmem>>) semaphore(%arg23 : memref<!tpu.dma_semaphore, #tpu.memory_space<semaphore_mem>>)
    %scan3A = arith.constant 0 : i32
    %scan3A_44 = arith.constant 0 : i32
    %scan3A_45 = arith.constant 125 : i32
    %scan3A_46 = arith.addi %scan3A_44, %scan3A_45 : i32
    %scan3A_47 = arith.constant 1 : i32
    scf.for %scan3A_49 = %scan3A_44 to %scan3A_46 step %scan3A_47  : i32 {
      %mul3A_50 = arith.constant 5 : i32
      %mul3A_51 = arith.muli %scan3A_49, %mul3A_50 : i32
      %add3A_52 = arith.constant 0 : i32
      %add3A_53 = arith.addi %mul3A_51, %add3A_52 : i32
      %add3A_54 = arith.constant 5 : i32
      %add3A_55 = arith.addi %add3A_53, %add3A_54 : i32
      %sub3A = arith.constant 1 : i32
      %sub3A_56 = arith.subi %add3A_55, %sub3A : i32
      %lt3A = arith.constant 625 : i32
      %lt3A_57 = arith.cmpi slt, %sub3A_56, %lt3A : i32
      %convert_element_type3A_58 = arith.extui %lt3A_57 : i1 to i32
      %cond3A_59 = arith.constant 0 : i32
      %cond3A_60 = arith.cmpi ne, %convert_element_type3A_58, %cond3A_59 : i32
      scf.if %cond3A_60 {
        %mul3A_251 = arith.constant 16 : i32
        %mul3A_252 = arith.muli %sub3A_56, %mul3A_251 : i32
        %dma_start3A_253 = tpu.memref_slice %arg7[%mul3A_252] : memref<10000xi32, #tpu.memory_space<vmem>> -> memref<16xi32, #tpu.memory_space<vmem>>
        %dma_start3A_254 = arith.constant 0 : i32
        %dma_start3A_255 = arith.constant 0 : i32
        %dma_start3A_256 = tpu.memref_slice %arg6[%dma_start3A_254, %dma_start3A_255] : memref<10000x128xf32, #tpu.memory_space<vmem_shared>> -> memref<10000x128xf32, #tpu.memory_space<vmem_shared>>
        tpu.enqueue_indirect_dma source(%dma_start3A_256 : memref<10000x128xf32, #tpu.memory_space<vmem_shared>>) target(%arg13 : memref<16x128xf32, #tpu.memory_space<vmem>>) offsets(%dma_start3A_253 : memref<16xi32, #tpu.memory_space<vmem>>) semaphore(%arg24 : memref<!tpu.dma_semaphore, #tpu.memory_space<semaphore_mem>>)
        %dma_start3A_257 = tpu.memref_slice %arg8[%mul3A_252] : memref<10000xi32, #tpu.memory_space<vmem>> -> memref<16xi32, #tpu.memory_space<vmem>>
        %dma_start3A_258 = arith.constant 0 : i32
        %dma_start3A_259 = arith.constant 0 : i32
        %dma_start3A_260 = tpu.memref_slice %arg6[%dma_start3A_258, %dma_start3A_259] : memref<10000x128xf32, #tpu.memory_space<vmem_shared>> -> memref<10000x128xf32, #tpu.memory_space<vmem_shared>>
        tpu.enqueue_indirect_dma source(%dma_start3A_260 : memref<10000x128xf32, #tpu.memory_space<vmem_shared>>) target(%arg18 : memref<16x128xf32, #tpu.memory_space<vmem>>) offsets(%dma_start3A_257 : memref<16xi32, #tpu.memory_space<vmem>>) semaphore(%arg24 : memref<!tpu.dma_semaphore, #tpu.memory_space<semaphore_mem>>)
      } else {
      }
      %dma_wait3A = arith.constant 0 : i32
      %dma_wait3A_61 = arith.constant 0 : i32
      %dma_wait3A_62 = tpu.memref_slice %arg2[%dma_wait3A, %dma_wait3A_61] : memref<10000x128xf32, #tpu.memory_space<hbm>> -> memref<16x128xf32, #tpu.memory_space<hbm>>
      %dma_wait3A_63 = arith.constant 0 : i32
      %dma_wait3A_64 = arith.constant 0 : i32
      %dma_wait3A_65 = tpu.memref_slice %arg2[%dma_wait3A_63, %dma_wait3A_64] : memref<10000x128xf32, #tpu.memory_space<hbm>> -> memref<16x128xf32, #tpu.memory_space<hbm>>
      tpu.wait_dma2 semaphore(%arg20 : memref<!tpu.dma_semaphore, #tpu.memory_space<semaphore_mem>>) src(%dma_wait3A_65 : memref<16x128xf32, #tpu.memory_space<hbm>>) dst(%arg9 : memref<16x128xf32, #tpu.memory_space<vmem>>)
      %dma_wait3A_66 = arith.constant 0 : i32
      %dma_wait3A_67 = arith.constant 0 : i32
      %dma_wait3A_68 = tpu.memref_slice %arg2[%dma_wait3A_66, %dma_wait3A_67] : memref<10000x128xf32, #tpu.memory_space<hbm>> -> memref<16x128xf32, #tpu.memory_space<hbm>>
      %dma_wait3A_69 = arith.constant 0 : i32
      %dma_wait3A_70 = arith.constant 0 : i32
      %dma_wait3A_71 = tpu.memref_slice %arg2[%dma_wait3A_69, %dma_wait3A_70] : memref<10000x128xf32, #tpu.memory_space<hbm>> -> memref<16x128xf32, #tpu.memory_space<hbm>>
      tpu.wait_dma2 semaphore(%arg20 : memref<!tpu.dma_semaphore, #tpu.memory_space<semaphore_mem>>) src(%dma_wait3A_71 : memref<16x128xf32, #tpu.memory_space<hbm>>) dst(%arg14 : memref<16x128xf32, #tpu.memory_space<vmem>>)
      %mul3A_72 = arith.constant 16 : i32
      %mul3A_73 = arith.muli %add3A_53, %mul3A_72 : i32
      %iota3A = tpu.iota {dimensions = array<i32: 0>} : vector<16xi32>
      %add3A_74 = arith.constant 0 : i32
      %add3A_75 = vector.broadcast %add3A_74 : i32 to vector<16xi32>
      %add3A_76 = arith.addi %iota3A, %add3A_75 : vector<16xi32>
      %broadcast_in_dim3A = arith.constant 0.000000e+00 : f32
      %broadcast_in_dim3A_77 = vector.broadcast %broadcast_in_dim3A : f32 to vector<16xf32>
      %scan3A_78 = arith.constant 0 : i32
      %scan3A_79 = arith.constant 128 : i32
      %scan3A_80 = arith.addi %scan3A_78, %scan3A_79 : i32
      %scan3A_81 = arith.constant 1 : i32
      %scan3A_82 = scf.for %scan3A_251 = %scan3A_78 to %scan3A_80 step %scan3A_81 iter_args(%scan3A_252 = %broadcast_in_dim3A_77) -> (vector<16xf32>)  : i32 {
        %broadcast_in_dim3A_253 = vector.broadcast %scan3A_251 : i32 to vector<16xi32>
        %gather3A = tpu.vector_load_idx %arg9[%add3A_76, %broadcast_in_dim3A_253] : memref<16x128xf32, #tpu.memory_space<vmem>>[vector<16xi32>, vector<16xi32>], vector<16xf32>,
        %gather3A_254 = tpu.vector_load_idx %arg14[%add3A_76, %broadcast_in_dim3A_253] : memref<16x128xf32, #tpu.memory_space<vmem>>[vector<16xi32>, vector<16xi32>], vector<16xf32>,
        %mul3A_255 = arith.mulf %gather3A, %gather3A_254 : vector<16xf32>
        %add3A_256 = arith.addf %scan3A_252, %mul3A_255 : vector<16xf32>
        scf.yield %add3A_256 : vector<16xf32>
      }
      %scan3A_83 = arith.constant 128 : i32
      %add3A_84 = arith.constant 0 : i32
      %add3A_85 = arith.addi %mul3A_73, %add3A_84 : i32
      %swap3A = arith.index_cast %add3A_85 : i32 to index
      %swap3A_86 = tpu.vector_load %arg19[%swap3A] {strides = array<i32>} : memref<10000xf32, #tpu.memory_space<vmem>>, vector<16xf32>,
      tpu.vector_store %arg19[%swap3A], %scan3A_82 {strides = array<i32>} : memref<10000xf32, #tpu.memory_space<vmem>>, vector<16xf32>,
      %add3A_87 = arith.constant 1 : i32
      %add3A_88 = arith.addi %mul3A_51, %add3A_87 : i32
      %add3A_89 = arith.constant 5 : i32
      %add3A_90 = arith.addi %add3A_88, %add3A_89 : i32
      %sub3A_91 = arith.constant 1 : i32
      %sub3A_92 = arith.subi %add3A_90, %sub3A_91 : i32
      %lt3A_93 = arith.constant 625 : i32
      %lt3A_94 = arith.cmpi slt, %sub3A_92, %lt3A_93 : i32
      %convert_element_type3A_95 = arith.extui %lt3A_94 : i1 to i32
      %cond3A_96 = arith.constant 0 : i32
      %cond3A_97 = arith.cmpi ne, %convert_element_type3A_95, %cond3A_96 : i32
      scf.if %cond3A_97 {
        %mul3A_251 = arith.constant 16 : i32
        %mul3A_252 = arith.muli %sub3A_92, %mul3A_251 : i32
        %dma_start3A_253 = tpu.memref_slice %arg7[%mul3A_252] : memref<10000xi32, #tpu.memory_space<vmem>> -> memref<16xi32, #tpu.memory_space<vmem>>
        %dma_start3A_254 = arith.constant 0 : i32
        %dma_start3A_255 = arith.constant 0 : i32
        %dma_start3A_256 = tpu.memref_slice %arg6[%dma_start3A_254, %dma_start3A_255] : memref<10000x128xf32, #tpu.memory_space<vmem_shared>> -> memref<10000x128xf32, #tpu.memory_space<vmem_shared>>
        tpu.enqueue_indirect_dma source(%dma_start3A_256 : memref<10000x128xf32, #tpu.memory_space<vmem_shared>>) target(%arg9 : memref<16x128xf32, #tpu.memory_space<vmem>>) offsets(%dma_start3A_253 : memref<16xi32, #tpu.memory_space<vmem>>) semaphore(%arg20 : memref<!tpu.dma_semaphore, #tpu.memory_space<semaphore_mem>>)
        %dma_start3A_257 = tpu.memref_slice %arg8[%mul3A_252] : memref<10000xi32, #tpu.memory_space<vmem>> -> memref<16xi32, #tpu.memory_space<vmem>>
        %dma_start3A_258 = arith.constant 0 : i32
        %dma_start3A_259 = arith.constant 0 : i32
        %dma_start3A_260 = tpu.memref_slice %arg6[%dma_start3A_258, %dma_start3A_259] : memref<10000x128xf32, #tpu.memory_space<vmem_shared>> -> memref<10000x128xf32, #tpu.memory_space<vmem_shared>>
        tpu.enqueue_indirect_dma source(%dma_start3A_260 : memref<10000x128xf32, #tpu.memory_space<vmem_shared>>) target(%arg14 : memref<16x128xf32, #tpu.memory_space<vmem>>) offsets(%dma_start3A_257 : memref<16xi32, #tpu.memory_space<vmem>>) semaphore(%arg20 : memref<!tpu.dma_semaphore, #tpu.memory_space<semaphore_mem>>)
      } else {
      }
      %dma_wait3A_98 = arith.constant 0 : i32
      %dma_wait3A_99 = arith.constant 0 : i32
      %dma_wait3A_100 = tpu.memref_slice %arg2[%dma_wait3A_98, %dma_wait3A_99] : memref<10000x128xf32, #tpu.memory_space<hbm>> -> memref<16x128xf32, #tpu.memory_space<hbm>>
      %dma_wait3A_101 = arith.constant 0 : i32
      %dma_wait3A_102 = arith.constant 0 : i32
      %dma_wait3A_103 = tpu.memref_slice %arg2[%dma_wait3A_101, %dma_wait3A_102] : memref<10000x128xf32, #tpu.memory_space<hbm>> -> memref<16x128xf32, #tpu.memory_space<hbm>>
      tpu.wait_dma2 semaphore(%arg21 : memref<!tpu.dma_semaphore, #tpu.memory_space<semaphore_mem>>) src(%dma_wait3A_103 : memref<16x128xf32, #tpu.memory_space<hbm>>) dst(%arg10 : memref<16x128xf32, #tpu.memory_space<vmem>>)
      %dma_wait3A_104 = arith.constant 0 : i32
      %dma_wait3A_105 = arith.constant 0 : i32
      %dma_wait3A_106 = tpu.memref_slice %arg2[%dma_wait3A_104, %dma_wait3A_105] : memref<10000x128xf32, #tpu.memory_space<hbm>> -> memref<16x128xf32, #tpu.memory_space<hbm>>
      %dma_wait3A_107 = arith.constant 0 : i32
      %dma_wait3A_108 = arith.constant 0 : i32
      %dma_wait3A_109 = tpu.memref_slice %arg2[%dma_wait3A_107, %dma_wait3A_108] : memref<10000x128xf32, #tpu.memory_space<hbm>> -> memref<16x128xf32, #tpu.memory_space<hbm>>
      tpu.wait_dma2 semaphore(%arg21 : memref<!tpu.dma_semaphore, #tpu.memory_space<semaphore_mem>>) src(%dma_wait3A_109 : memref<16x128xf32, #tpu.memory_space<hbm>>) dst(%arg15 : memref<16x128xf32, #tpu.memory_space<vmem>>)
      %mul3A_110 = arith.constant 16 : i32
      %mul3A_111 = arith.muli %add3A_88, %mul3A_110 : i32
      %iota3A_112 = tpu.iota {dimensions = array<i32: 0>} : vector<16xi32>
      %add3A_113 = arith.constant 0 : i32
      %add3A_114 = vector.broadcast %add3A_113 : i32 to vector<16xi32>
      %add3A_115 = arith.addi %iota3A_112, %add3A_114 : vector<16xi32>
      %broadcast_in_dim3A_116 = arith.constant 0.000000e+00 : f32
      %broadcast_in_dim3A_117 = vector.broadcast %broadcast_in_dim3A_116 : f32 to vector<16xf32>
      %scan3A_118 = arith.constant 0 : i32
      %scan3A_119 = arith.constant 128 : i32
      %scan3A_120 = arith.addi %scan3A_118, %scan3A_119 : i32
      %scan3A_121 = arith.constant 1 : i32
      %scan3A_122 = scf.for %scan3A_251 = %scan3A_118 to %scan3A_120 step %scan3A_121 iter_args(%scan3A_252 = %broadcast_in_dim3A_117) -> (vector<16xf32>)  : i32 {
        %broadcast_in_dim3A_253 = vector.broadcast %scan3A_251 : i32 to vector<16xi32>
        %gather3A = tpu.vector_load_idx %arg10[%add3A_115, %broadcast_in_dim3A_253] : memref<16x128xf32, #tpu.memory_space<vmem>>[vector<16xi32>, vector<16xi32>], vector<16xf32>,
        %gather3A_254 = tpu.vector_load_idx %arg15[%add3A_115, %broadcast_in_dim3A_253] : memref<16x128xf32, #tpu.memory_space<vmem>>[vector<16xi32>, vector<16xi32>], vector<16xf32>,
        %mul3A_255 = arith.mulf %gather3A, %gather3A_254 : vector<16xf32>
        %add3A_256 = arith.addf %scan3A_252, %mul3A_255 : vector<16xf32>
        scf.yield %add3A_256 : vector<16xf32>
      }
      %scan3A_123 = arith.constant 128 : i32
      %add3A_124 = arith.constant 0 : i32
      %add3A_125 = arith.addi %mul3A_111, %add3A_124 : i32
      %swap3A_126 = arith.index_cast %add3A_125 : i32 to index
      %swap3A_127 = tpu.vector_load %arg19[%swap3A_126] {strides = array<i32>} : memref<10000xf32, #tpu.memory_space<vmem>>, vector<16xf32>,
      tpu.vector_store %arg19[%swap3A_126], %scan3A_122 {strides = array<i32>} : memref<10000xf32, #tpu.memory_space<vmem>>, vector<16xf32>,
      %add3A_128 = arith.constant 2 : i32
      %add3A_129 = arith.addi %mul3A_51, %add3A_128 : i32
      %add3A_130 = arith.constant 5 : i32
      %add3A_131 = arith.addi %add3A_129, %add3A_130 : i32
      %sub3A_132 = arith.constant 1 : i32
      %sub3A_133 = arith.subi %add3A_131, %sub3A_132 : i32
      %lt3A_134 = arith.constant 625 : i32
      %lt3A_135 = arith.cmpi slt, %sub3A_133, %lt3A_134 : i32
      %convert_element_type3A_136 = arith.extui %lt3A_135 : i1 to i32
      %cond3A_137 = arith.constant 0 : i32
      %cond3A_138 = arith.cmpi ne, %convert_element_type3A_136, %cond3A_137 : i32
      scf.if %cond3A_138 {
        %mul3A_251 = arith.constant 16 : i32
        %mul3A_252 = arith.muli %sub3A_133, %mul3A_251 : i32
        %dma_start3A_253 = tpu.memref_slice %arg7[%mul3A_252] : memref<10000xi32, #tpu.memory_space<vmem>> -> memref<16xi32, #tpu.memory_space<vmem>>
        %dma_start3A_254 = arith.constant 0 : i32
        %dma_start3A_255 = arith.constant 0 : i32
        %dma_start3A_256 = tpu.memref_slice %arg6[%dma_start3A_254, %dma_start3A_255] : memref<10000x128xf32, #tpu.memory_space<vmem_shared>> -> memref<10000x128xf32, #tpu.memory_space<vmem_shared>>
        tpu.enqueue_indirect_dma source(%dma_start3A_256 : memref<10000x128xf32, #tpu.memory_space<vmem_shared>>) target(%arg10 : memref<16x128xf32, #tpu.memory_space<vmem>>) offsets(%dma_start3A_253 : memref<16xi32, #tpu.memory_space<vmem>>) semaphore(%arg21 : memref<!tpu.dma_semaphore, #tpu.memory_space<semaphore_mem>>)
        %dma_start3A_257 = tpu.memref_slice %arg8[%mul3A_252] : memref<10000xi32, #tpu.memory_space<vmem>> -> memref<16xi32, #tpu.memory_space<vmem>>
        %dma_start3A_258 = arith.constant 0 : i32
        %dma_start3A_259 = arith.constant 0 : i32
        %dma_start3A_260 = tpu.memref_slice %arg6[%dma_start3A_258, %dma_start3A_259] : memref<10000x128xf32, #tpu.memory_space<vmem_shared>> -> memref<10000x128xf32, #tpu.memory_space<vmem_shared>>
        tpu.enqueue_indirect_dma source(%dma_start3A_260 : memref<10000x128xf32, #tpu.memory_space<vmem_shared>>) target(%arg15 : memref<16x128xf32, #tpu.memory_space<vmem>>) offsets(%dma_start3A_257 : memref<16xi32, #tpu.memory_space<vmem>>) semaphore(%arg21 : memref<!tpu.dma_semaphore, #tpu.memory_space<semaphore_mem>>)
      } else {
      }
      %dma_wait3A_139 = arith.constant 0 : i32
      %dma_wait3A_140 = arith.constant 0 : i32
      %dma_wait3A_141 = tpu.memref_slice %arg2[%dma_wait3A_139, %dma_wait3A_140] : memref<10000x128xf32, #tpu.memory_space<hbm>> -> memref<16x128xf32, #tpu.memory_space<hbm>>
      %dma_wait3A_142 = arith.constant 0 : i32
      %dma_wait3A_143 = arith.constant 0 : i32
      %dma_wait3A_144 = tpu.memref_slice %arg2[%dma_wait3A_142, %dma_wait3A_143] : memref<10000x128xf32, #tpu.memory_space<hbm>> -> memref<16x128xf32, #tpu.memory_space<hbm>>
      tpu.wait_dma2 semaphore(%arg22 : memref<!tpu.dma_semaphore, #tpu.memory_space<semaphore_mem>>) src(%dma_wait3A_144 : memref<16x128xf32, #tpu.memory_space<hbm>>) dst(%arg11 : memref<16x128xf32, #tpu.memory_space<vmem>>)
      %dma_wait3A_145 = arith.constant 0 : i32
      %dma_wait3A_146 = arith.constant 0 : i32
      %dma_wait3A_147 = tpu.memref_slice %arg2[%dma_wait3A_145, %dma_wait3A_146] : memref<10000x128xf32, #tpu.memory_space<hbm>> -> memref<16x128xf32, #tpu.memory_space<hbm>>
      %dma_wait3A_148 = arith.constant 0 : i32
      %dma_wait3A_149 = arith.constant 0 : i32
      %dma_wait3A_150 = tpu.memref_slice %arg2[%dma_wait3A_148, %dma_wait3A_149] : memref<10000x128xf32, #tpu.memory_space<hbm>> -> memref<16x128xf32, #tpu.memory_space<hbm>>
      tpu.wait_dma2 semaphore(%arg22 : memref<!tpu.dma_semaphore, #tpu.memory_space<semaphore_mem>>) src(%dma_wait3A_150 : memref<16x128xf32, #tpu.memory_space<hbm>>) dst(%arg16 : memref<16x128xf32, #tpu.memory_space<vmem>>)
      %mul3A_151 = arith.constant 16 : i32
      %mul3A_152 = arith.muli %add3A_129, %mul3A_151 : i32
      %iota3A_153 = tpu.iota {dimensions = array<i32: 0>} : vector<16xi32>
      %add3A_154 = arith.constant 0 : i32
      %add3A_155 = vector.broadcast %add3A_154 : i32 to vector<16xi32>
      %add3A_156 = arith.addi %iota3A_153, %add3A_155 : vector<16xi32>
      %broadcast_in_dim3A_157 = arith.constant 0.000000e+00 : f32
      %broadcast_in_dim3A_158 = vector.broadcast %broadcast_in_dim3A_157 : f32 to vector<16xf32>
      %scan3A_159 = arith.constant 0 : i32
      %scan3A_160 = arith.constant 128 : i32
      %scan3A_161 = arith.addi %scan3A_159, %scan3A_160 : i32
      %scan3A_162 = arith.constant 1 : i32
      %scan3A_163 = scf.for %scan3A_251 = %scan3A_159 to %scan3A_161 step %scan3A_162 iter_args(%scan3A_252 = %broadcast_in_dim3A_158) -> (vector<16xf32>)  : i32 {
        %broadcast_in_dim3A_253 = vector.broadcast %scan3A_251 : i32 to vector<16xi32>
        %gather3A = tpu.vector_load_idx %arg11[%add3A_156, %broadcast_in_dim3A_253] : memref<16x128xf32, #tpu.memory_space<vmem>>[vector<16xi32>, vector<16xi32>], vector<16xf32>,
        %gather3A_254 = tpu.vector_load_idx %arg16[%add3A_156, %broadcast_in_dim3A_253] : memref<16x128xf32, #tpu.memory_space<vmem>>[vector<16xi32>, vector<16xi32>], vector<16xf32>,
        %mul3A_255 = arith.mulf %gather3A, %gather3A_254 : vector<16xf32>
        %add3A_256 = arith.addf %scan3A_252, %mul3A_255 : vector<16xf32>
        scf.yield %add3A_256 : vector<16xf32>
      }
      %scan3A_164 = arith.constant 128 : i32
      %add3A_165 = arith.constant 0 : i32
      %add3A_166 = arith.addi %mul3A_152, %add3A_165 : i32
      %swap3A_167 = arith.index_cast %add3A_166 : i32 to index
      %swap3A_168 = tpu.vector_load %arg19[%swap3A_167] {strides = array<i32>} : memref<10000xf32, #tpu.memory_space<vmem>>, vector<16xf32>,
      tpu.vector_store %arg19[%swap3A_167], %scan3A_163 {strides = array<i32>} : memref<10000xf32, #tpu.memory_space<vmem>>, vector<16xf32>,
      %add3A_169 = arith.constant 3 : i32
      %add3A_170 = arith.addi %mul3A_51, %add3A_169 : i32
      %add3A_171 = arith.constant 5 : i32
      %add3A_172 = arith.addi %add3A_170, %add3A_171 : i32
      %sub3A_173 = arith.constant 1 : i32
      %sub3A_174 = arith.subi %add3A_172, %sub3A_173 : i32
      %lt3A_175 = arith.constant 625 : i32
      %lt3A_176 = arith.cmpi slt, %sub3A_174, %lt3A_175 : i32
      %convert_element_type3A_177 = arith.extui %lt3A_176 : i1 to i32
      %cond3A_178 = arith.constant 0 : i32
      %cond3A_179 = arith.cmpi ne, %convert_element_type3A_177, %cond3A_178 : i32
      scf.if %cond3A_179 {
        %mul3A_251 = arith.constant 16 : i32
        %mul3A_252 = arith.muli %sub3A_174, %mul3A_251 : i32
        %dma_start3A_253 = tpu.memref_slice %arg7[%mul3A_252] : memref<10000xi32, #tpu.memory_space<vmem>> -> memref<16xi32, #tpu.memory_space<vmem>>
        %dma_start3A_254 = arith.constant 0 : i32
        %dma_start3A_255 = arith.constant 0 : i32
        %dma_start3A_256 = tpu.memref_slice %arg6[%dma_start3A_254, %dma_start3A_255] : memref<10000x128xf32, #tpu.memory_space<vmem_shared>> -> memref<10000x128xf32, #tpu.memory_space<vmem_shared>>
        tpu.enqueue_indirect_dma source(%dma_start3A_256 : memref<10000x128xf32, #tpu.memory_space<vmem_shared>>) target(%arg11 : memref<16x128xf32, #tpu.memory_space<vmem>>) offsets(%dma_start3A_253 : memref<16xi32, #tpu.memory_space<vmem>>) semaphore(%arg22 : memref<!tpu.dma_semaphore, #tpu.memory_space<semaphore_mem>>)
        %dma_start3A_257 = tpu.memref_slice %arg8[%mul3A_252] : memref<10000xi32, #tpu.memory_space<vmem>> -> memref<16xi32, #tpu.memory_space<vmem>>
        %dma_start3A_258 = arith.constant 0 : i32
        %dma_start3A_259 = arith.constant 0 : i32
        %dma_start3A_260 = tpu.memref_slice %arg6[%dma_start3A_258, %dma_start3A_259] : memref<10000x128xf32, #tpu.memory_space<vmem_shared>> -> memref<10000x128xf32, #tpu.memory_space<vmem_shared>>
        tpu.enqueue_indirect_dma source(%dma_start3A_260 : memref<10000x128xf32, #tpu.memory_space<vmem_shared>>) target(%arg16 : memref<16x128xf32, #tpu.memory_space<vmem>>) offsets(%dma_start3A_257 : memref<16xi32, #tpu.memory_space<vmem>>) semaphore(%arg22 : memref<!tpu.dma_semaphore, #tpu.memory_space<semaphore_mem>>)
      } else {
      }
      %dma_wait3A_180 = arith.constant 0 : i32
      %dma_wait3A_181 = arith.constant 0 : i32
      %dma_wait3A_182 = tpu.memref_slice %arg2[%dma_wait3A_180, %dma_wait3A_181] : memref<10000x128xf32, #tpu.memory_space<hbm>> -> memref<16x128xf32, #tpu.memory_space<hbm>>
      %dma_wait3A_183 = arith.constant 0 : i32
      %dma_wait3A_184 = arith.constant 0 : i32
      %dma_wait3A_185 = tpu.memref_slice %arg2[%dma_wait3A_183, %dma_wait3A_184] : memref<10000x128xf32, #tpu.memory_space<hbm>> -> memref<16x128xf32, #tpu.memory_space<hbm>>
      tpu.wait_dma2 semaphore(%arg23 : memref<!tpu.dma_semaphore, #tpu.memory_space<semaphore_mem>>) src(%dma_wait3A_185 : memref<16x128xf32, #tpu.memory_space<hbm>>) dst(%arg12 : memref<16x128xf32, #tpu.memory_space<vmem>>)
      %dma_wait3A_186 = arith.constant 0 : i32
      %dma_wait3A_187 = arith.constant 0 : i32
      %dma_wait3A_188 = tpu.memref_slice %arg2[%dma_wait3A_186, %dma_wait3A_187] : memref<10000x128xf32, #tpu.memory_space<hbm>> -> memref<16x128xf32, #tpu.memory_space<hbm>>
      %dma_wait3A_189 = arith.constant 0 : i32
      %dma_wait3A_190 = arith.constant 0 : i32
      %dma_wait3A_191 = tpu.memref_slice %arg2[%dma_wait3A_189, %dma_wait3A_190] : memref<10000x128xf32, #tpu.memory_space<hbm>> -> memref<16x128xf32, #tpu.memory_space<hbm>>
      tpu.wait_dma2 semaphore(%arg23 : memref<!tpu.dma_semaphore, #tpu.memory_space<semaphore_mem>>) src(%dma_wait3A_191 : memref<16x128xf32, #tpu.memory_space<hbm>>) dst(%arg17 : memref<16x128xf32, #tpu.memory_space<vmem>>)
      %mul3A_192 = arith.constant 16 : i32
      %mul3A_193 = arith.muli %add3A_170, %mul3A_192 : i32
      %iota3A_194 = tpu.iota {dimensions = array<i32: 0>} : vector<16xi32>
      %add3A_195 = arith.constant 0 : i32
      %add3A_196 = vector.broadcast %add3A_195 : i32 to vector<16xi32>
      %add3A_197 = arith.addi %iota3A_194, %add3A_196 : vector<16xi32>
      %broadcast_in_dim3A_198 = arith.constant 0.000000e+00 : f32
      %broadcast_in_dim3A_199 = vector.broadcast %broadcast_in_dim3A_198 : f32 to vector<16xf32>
      %scan3A_200 = arith.constant 0 : i32
      %scan3A_201 = arith.constant 128 : i32
      %scan3A_202 = arith.addi %scan3A_200, %scan3A_201 : i32
      %scan3A_203 = arith.constant 1 : i32
      %scan3A_204 = scf.for %scan3A_251 = %scan3A_200 to %scan3A_202 step %scan3A_203 iter_args(%scan3A_252 = %broadcast_in_dim3A_199) -> (vector<16xf32>)  : i32 {
        %broadcast_in_dim3A_253 = vector.broadcast %scan3A_251 : i32 to vector<16xi32>
        %gather3A = tpu.vector_load_idx %arg12[%add3A_197, %broadcast_in_dim3A_253] : memref<16x128xf32, #tpu.memory_space<vmem>>[vector<16xi32>, vector<16xi32>], vector<16xf32>,
        %gather3A_254 = tpu.vector_load_idx %arg17[%add3A_197, %broadcast_in_dim3A_253] : memref<16x128xf32, #tpu.memory_space<vmem>>[vector<16xi32>, vector<16xi32>], vector<16xf32>,
        %mul3A_255 = arith.mulf %gather3A, %gather3A_254 : vector<16xf32>
        %add3A_256 = arith.addf %scan3A_252, %mul3A_255 : vector<16xf32>
        scf.yield %add3A_256 : vector<16xf32>
      }
      %scan3A_205 = arith.constant 128 : i32
      %add3A_206 = arith.constant 0 : i32
      %add3A_207 = arith.addi %mul3A_193, %add3A_206 : i32
      %swap3A_208 = arith.index_cast %add3A_207 : i32 to index
      %swap3A_209 = tpu.vector_load %arg19[%swap3A_208] {strides = array<i32>} : memref<10000xf32, #tpu.memory_space<vmem>>, vector<16xf32>,
      tpu.vector_store %arg19[%swap3A_208], %scan3A_204 {strides = array<i32>} : memref<10000xf32, #tpu.memory_space<vmem>>, vector<16xf32>,
      %add3A_210 = arith.constant 4 : i32
      %add3A_211 = arith.addi %mul3A_51, %add3A_210 : i32
      %add3A_212 = arith.constant 5 : i32
      %add3A_213 = arith.addi %add3A_211, %add3A_212 : i32
      %sub3A_214 = arith.constant 1 : i32
      %sub3A_215 = arith.subi %add3A_213, %sub3A_214 : i32
      %lt3A_216 = arith.constant 625 : i32
      %lt3A_217 = arith.cmpi slt, %sub3A_215, %lt3A_216 : i32
      %convert_element_type3A_218 = arith.extui %lt3A_217 : i1 to i32
      %cond3A_219 = arith.constant 0 : i32
      %cond3A_220 = arith.cmpi ne, %convert_element_type3A_218, %cond3A_219 : i32
      scf.if %cond3A_220 {
        %mul3A_251 = arith.constant 16 : i32
        %mul3A_252 = arith.muli %sub3A_215, %mul3A_251 : i32
        %dma_start3A_253 = tpu.memref_slice %arg7[%mul3A_252] : memref<10000xi32, #tpu.memory_space<vmem>> -> memref<16xi32, #tpu.memory_space<vmem>>
        %dma_start3A_254 = arith.constant 0 : i32
        %dma_start3A_255 = arith.constant 0 : i32
        %dma_start3A_256 = tpu.memref_slice %arg6[%dma_start3A_254, %dma_start3A_255] : memref<10000x128xf32, #tpu.memory_space<vmem_shared>> -> memref<10000x128xf32, #tpu.memory_space<vmem_shared>>
        tpu.enqueue_indirect_dma source(%dma_start3A_256 : memref<10000x128xf32, #tpu.memory_space<vmem_shared>>) target(%arg12 : memref<16x128xf32, #tpu.memory_space<vmem>>) offsets(%dma_start3A_253 : memref<16xi32, #tpu.memory_space<vmem>>) semaphore(%arg23 : memref<!tpu.dma_semaphore, #tpu.memory_space<semaphore_mem>>)
        %dma_start3A_257 = tpu.memref_slice %arg8[%mul3A_252] : memref<10000xi32, #tpu.memory_space<vmem>> -> memref<16xi32, #tpu.memory_space<vmem>>
        %dma_start3A_258 = arith.constant 0 : i32
        %dma_start3A_259 = arith.constant 0 : i32
        %dma_start3A_260 = tpu.memref_slice %arg6[%dma_start3A_258, %dma_start3A_259] : memref<10000x128xf32, #tpu.memory_space<vmem_shared>> -> memref<10000x128xf32, #tpu.memory_space<vmem_shared>>
        tpu.enqueue_indirect_dma source(%dma_start3A_260 : memref<10000x128xf32, #tpu.memory_space<vmem_shared>>) target(%arg17 : memref<16x128xf32, #tpu.memory_space<vmem>>) offsets(%dma_start3A_257 : memref<16xi32, #tpu.memory_space<vmem>>) semaphore(%arg23 : memref<!tpu.dma_semaphore, #tpu.memory_space<semaphore_mem>>)
      } else {
      }
      %dma_wait3A_221 = arith.constant 0 : i32
      %dma_wait3A_222 = arith.constant 0 : i32
      %dma_wait3A_223 = tpu.memref_slice %arg2[%dma_wait3A_221, %dma_wait3A_222] : memref<10000x128xf32, #tpu.memory_space<hbm>> -> memref<16x128xf32, #tpu.memory_space<hbm>>
      %dma_wait3A_224 = arith.constant 0 : i32
      %dma_wait3A_225 = arith.constant 0 : i32
      %dma_wait3A_226 = tpu.memref_slice %arg2[%dma_wait3A_224, %dma_wait3A_225] : memref<10000x128xf32, #tpu.memory_space<hbm>> -> memref<16x128xf32, #tpu.memory_space<hbm>>
      tpu.wait_dma2 semaphore(%arg24 : memref<!tpu.dma_semaphore, #tpu.memory_space<semaphore_mem>>) src(%dma_wait3A_226 : memref<16x128xf32, #tpu.memory_space<hbm>>) dst(%arg13 : memref<16x128xf32, #tpu.memory_space<vmem>>)
      %dma_wait3A_227 = arith.constant 0 : i32
      %dma_wait3A_228 = arith.constant 0 : i32
      %dma_wait3A_229 = tpu.memref_slice %arg2[%dma_wait3A_227, %dma_wait3A_228] : memref<10000x128xf32, #tpu.memory_space<hbm>> -> memref<16x128xf32, #tpu.memory_space<hbm>>
      %dma_wait3A_230 = arith.constant 0 : i32
      %dma_wait3A_231 = arith.constant 0 : i32
      %dma_wait3A_232 = tpu.memref_slice %arg2[%dma_wait3A_230, %dma_wait3A_231] : memref<10000x128xf32, #tpu.memory_space<hbm>> -> memref<16x128xf32, #tpu.memory_space<hbm>>
      tpu.wait_dma2 semaphore(%arg24 : memref<!tpu.dma_semaphore, #tpu.memory_space<semaphore_mem>>) src(%dma_wait3A_232 : memref<16x128xf32, #tpu.memory_space<hbm>>) dst(%arg18 : memref<16x128xf32, #tpu.memory_space<vmem>>)
      %mul3A_233 = arith.constant 16 : i32
      %mul3A_234 = arith.muli %add3A_211, %mul3A_233 : i32
      %iota3A_235 = tpu.iota {dimensions = array<i32: 0>} : vector<16xi32>
      %add3A_236 = arith.constant 0 : i32
      %add3A_237 = vector.broadcast %add3A_236 : i32 to vector<16xi32>
      %add3A_238 = arith.addi %iota3A_235, %add3A_237 : vector<16xi32>
      %broadcast_in_dim3A_239 = arith.constant 0.000000e+00 : f32
      %broadcast_in_dim3A_240 = vector.broadcast %broadcast_in_dim3A_239 : f32 to vector<16xf32>
      %scan3A_241 = arith.constant 0 : i32
      %scan3A_242 = arith.constant 128 : i32
      %scan3A_243 = arith.addi %scan3A_241, %scan3A_242 : i32
      %scan3A_244 = arith.constant 1 : i32
      %scan3A_245 = scf.for %scan3A_251 = %scan3A_241 to %scan3A_243 step %scan3A_244 iter_args(%scan3A_252 = %broadcast_in_dim3A_240) -> (vector<16xf32>)  : i32 {
        %broadcast_in_dim3A_253 = vector.broadcast %scan3A_251 : i32 to vector<16xi32>
        %gather3A = tpu.vector_load_idx %arg13[%add3A_238, %broadcast_in_dim3A_253] : memref<16x128xf32, #tpu.memory_space<vmem>>[vector<16xi32>, vector<16xi32>], vector<16xf32>,
        %gather3A_254 = tpu.vector_load_idx %arg18[%add3A_238, %broadcast_in_dim3A_253] : memref<16x128xf32, #tpu.memory_space<vmem>>[vector<16xi32>, vector<16xi32>], vector<16xf32>,
        %mul3A_255 = arith.mulf %gather3A, %gather3A_254 : vector<16xf32>
        %add3A_256 = arith.addf %scan3A_252, %mul3A_255 : vector<16xf32>
        scf.yield %add3A_256 : vector<16xf32>
      }
      %scan3A_246 = arith.constant 128 : i32
      %add3A_247 = arith.constant 0 : i32
      %add3A_248 = arith.addi %mul3A_234, %add3A_247 : i32
      %swap3A_249 = arith.index_cast %add3A_248 : i32 to index
      %swap3A_250 = tpu.vector_load %arg19[%swap3A_249] {strides = array<i32>} : memref<10000xf32, #tpu.memory_space<vmem>>, vector<16xf32>,
      tpu.vector_store %arg19[%swap3A_249], %scan3A_245 {strides = array<i32>} : memref<10000xf32, #tpu.memory_space<vmem>>, vector<16xf32>,
    }
    %scan3A_48 = arith.constant 125 : i32
    "tpu.region"() ({
      %run_scoped3A = tpu.sem_alloc : memref<!tpu.dma_semaphore, #tpu.memory_space<semaphore_mem>>
      %dma_start3A_49 = tpu.memref_slice %arg5[%mul3A_2] : memref<320000xf32, #tpu.memory_space<hbm>> -> memref<10000xf32, #tpu.memory_space<hbm>>
      %dma_start3A_50 = tpu.memref_slice %arg5[%mul3A_2] : memref<320000xf32, #tpu.memory_space<hbm>> -> memref<10000xf32, #tpu.memory_space<hbm>>
      tpu.enqueue_dma source(%arg19 : memref<10000xf32, #tpu.memory_space<vmem>>) target(%dma_start3A_50 : memref<10000xf32, #tpu.memory_space<hbm>>) target_semaphore(%run_scoped3A : memref<!tpu.dma_semaphore, #tpu.memory_space<semaphore_mem>>)
      %dma_wait3A = tpu.memref_slice %arg5[%mul3A_2] : memref<320000xf32, #tpu.memory_space<hbm>> -> memref<10000xf32, #tpu.memory_space<hbm>>
      %dma_wait3A_51 = tpu.memref_slice %arg5[%mul3A_2] : memref<320000xf32, #tpu.memory_space<hbm>> -> memref<10000xf32, #tpu.memory_space<hbm>>
      tpu.wait_dma2 semaphore(%run_scoped3A : memref<!tpu.dma_semaphore, #tpu.memory_space<semaphore_mem>>) src(%arg19 : memref<10000xf32, #tpu.memory_space<vmem>>) dst(%dma_wait3A_51 : memref<10000xf32, #tpu.memory_space<hbm>>)
      tpu.yield
    }) : () -> ()
    return
  }
}

</mosaic_0001>

<sc_bundles>
// kernel: _run.3.cloned.1.call-start
scs
__scs_entry_jumppad:
0x0: {  	(pc) =	sbr.rel $0x88, $3  }
0x1: {  	(tag) =	ssettag $0x0;
	lr =	simm.s32 $0x1  }
0x2: {  	[smem:$0x3F9E] =	sst lr;
	_ =	strace $0xD0000000  }
0x3: {  	_ = 	snop  }
0x4: {  	_ = 	snop  }
0x5: {  	_ = 	snop  }
0x6: {  	_ = 	snop  }
0x7: {  	_ = 	snop  }
__scs_overlays_trampoline_lowered:
0x8: {  	[smem:$0x3FAD] =	sst s0  }
0x9: {  	[smem:$0x3FAE] =	sst s1  }
0xa: {  	[smem:$0x3FAF] =	sst s2  }
0xb: {  	[smem:$0x3FB0] =	sst s3  }
0xc: {  	[smem:$0x3FB1] =	sst s4  }
0xd: {  	[smem:$0x3FB2] =	sst s5  }
0xe: {  	[smem:$0x3FB3] =	sst s6  }
0xf: {  	[smem:$0x3FB4] =	sst s7  }
0x10: {  	[smem:$0x3FB5] =	sst s8  }
0x11: {  	[smem:$0x3FB6] =	sst s9;
	s0 =	simm.s32 @!p0 $0x0  }
0x12: {  	s1 =	sld [smem:$0x3F9C];
	s0 =	simm.s32 @p0 $0x1  }
0x13: {  	[smem:$0x3FB7] =	sst s0;
	s0 =	simm.s32 @!p1 $0x0  }
0x14: {  	s2 =	sld [smem:$0x3F9B];
	s0 =	simm.s32 @p1 $0x1  }
0x15: {  	[smem:$0x3FB8] =	sst s0;
	s0 =	simm.s32 @!p2 $0x0  }
0x16: {  	s3 =	sld [smem:$0x3FDB];
	s0 =	simm.s32 @p2 $0x1  }
0x17: {  	s4 =	simm.s32 $0x1BF5;
	[smem:$0x3FBA] =	sst s0  }
0x18: {  	s0 =	sld [smem:$0x3F9D];
	_ =	swait.ge [sflag:s4], $0x0  }
0x19: {  	s7 =	sld [smem:$0x3F9E]  }
0x1a: {  	s8 =	sadd.s32 $0xFFFFE003, lr  }
0x1b: {  	s9 =	sadd.s32 $0xFFFFFEF7, lr;
	s5 =	simm.s32 $0xFFFFFFFF;
	p2 =	slt.u32 s8, $0xFFFFF086  }
0x1c: {  	p1 =	slt.u32 s9, $0xF7A;
	s5 =	simm.s32 @!p2 $0x0  }
0x1d: {  	s5 =	simm.s32 @p1 $0x1;
	p0 =	seq.s32 s7, s2  }
0x1e: {  	s7 =	smul.u32 @!p0 $0xF7A, s2;
	p2 =	seq.s32 @!p0 s5, $0x0  }
0x1f: {  	s9 =	smul.u32 $0xF7A, s1;
	s8 =	simm.s32 @!p0 $0x1BF5;
	p2 =	por !p2, p0  }
0x20: {  	[sflag:s8] =	ssyncset.s32 @!p0 $0xFFFFF086;
	s6 =	sadd.s32 @!p0 s3, s7;
	s7 =	simm.s32 @!p0 $0x108  }
0x21: {  	s3 =	sadd.s32 s3, s9;
	s6 =	sadd.s32 @!p0 $0x88, s6;
	s7 =	simm.s32 @p2 $0x1082  }
0x22: {  	[simem:s7], [sflag:s8] =	dma.local @!p0 [hbm:s6], $0xF7A  }
0x23: {  	s9 =	sor.u32 $0xD0000000, s2;
	s6 =	simm.s32 $0x108;
	_ =	swait.ge @!p0 [sflag:s8], $0x0  }
0x24: {  	s3 =	sadd.s32 $0x88, s3;
	s6 =	simm.s32 @!p1 $0x1082;
	[sflag:s4] =	ssyncset.s32 $0xFFFFF086  }
0x25: {  	[simem:s6], [sflag:s4] =	dma.local [hbm:s3], $0xF7A  }
0x26: {  	[smem:$0x3F9E] =	sst s1;
	(tag) =	ssettag s2;
	_ =	strace s9  }
0x27: {  	s1 =	sld [smem:$0x3FAE]  }
0x28: {  	s2 =	sld [smem:$0x3FAF]  }
0x29: {  	s4 =	sld [smem:$0x3FB1]  }
0x2a: {  	p0 =	seq.s32 s5, $0x0;
	s5 =	sld [smem:$0x3FB2]  }
0x2b: {  	s6 =	sld [smem:$0x3FB3]  }
0x2c: {  	s7 =	sld [smem:$0x3FB4]  }
0x2d: {  	s3 =	simm.s32 $0x108;
	s8 =	sld [smem:$0x3FB5]  }
0x2e: {  	s3 =	simm.s32 @!p0 $0x1082;
	s9 =	sld [smem:$0x3FB6]  }
0x2f: {  	lr =	sadd.s32 s0, s3;
	s0 =	sld [smem:$0x3FAD]  }
0x30: {  	s3 =	sld [smem:$0x3FB0]  }
0x31: {  	[smem:$0x3FB9] =	sst s10  }
0x32: {  	s10 =	sld [smem:$0x3FB7];
	_ =	sdelay $0x3  }
0x33: {  	p0 =	seq.s32 s10, $0x1;
	s10 =	sld [smem:$0x3FB9];
	_ =	sdelay $0x3  }
0x34: {  	[smem:$0x3FB9] =	sst s10  }
0x35: {  	s10 =	sld [smem:$0x3FB8];
	_ =	sdelay $0x3  }
0x36: {  	p1 =	seq.s32 s10, $0x1;
	s10 =	sld [smem:$0x3FB9];
	_ =	sdelay $0x3  }
0x37: {  	[smem:$0x3FB9] =	sst s10  }
0x38: {  	s10 =	sld [smem:$0x3FBA]  }
0x39: {  	_ = 	snop;
	(pc) =	sbr.ind lr, $3  }
0x3a: {  	_ = 	snop  }
0x3b: {  	_ = 	snop  }
0x3c: {  	p2 =	seq.s32 s10, $0x1;
	s10 =	sld [smem:$0x3FB9]  }
0x3d: {  	_ =	shalt  }
0x3e: {  	_ =	shalt  }
0x3f: {  	_ =	shalt  }
0x40: {  	_ =	shalt  }
0x41: {  	_ =	shalt  }
0x42: {  	_ =	shalt  }
0x43: {  	_ =	shalt  }
0x44: {  	_ =	shalt  }
0x45: {  	_ =	shalt  }
0x46: {  	_ =	shalt  }
0x47: {  	_ =	shalt  }
0x48: {  	_ =	shalt  }
0x49: {  	_ =	shalt  }
0x4a: {  	_ =	shalt  }
0x4b: {  	_ =	shalt  }
0x4c: {  	_ =	shalt  }
0x4d: {  	_ =	shalt  }
0x4e: {  	_ =	shalt  }
0x4f: {  	_ =	shalt  }
0x50: {  	_ =	shalt  }
0x51: {  	_ =	shalt  }
0x52: {  	_ =	shalt  }
0x53: {  	_ =	shalt  }
0x54: {  	_ =	shalt  }
0x55: {  	_ =	shalt  }
0x56: {  	_ =	shalt  }
0x57: {  	_ =	shalt  }
0x58: {  	_ =	shalt  }
0x59: {  	_ =	shalt  }
0x5a: {  	_ =	shalt  }
0x5b: {  	_ =	shalt  }
0x5c: {  	_ =	shalt  }
0x5d: {  	_ =	shalt  }
0x5e: {  	_ =	shalt  }
0x5f: {  	_ =	shalt  }
0x60: {  	_ =	shalt  }
0x61: {  	_ =	shalt  }
0x62: {  	_ =	shalt  }
0x63: {  	_ =	shalt  }
0x64: {  	_ =	shalt  }
0x65: {  	_ =	shalt  }
0x66: {  	_ =	shalt  }
0x67: {  	_ =	shalt  }
0x68: {  	_ =	shalt  }
0x69: {  	_ =	shalt  }
0x6a: {  	_ =	shalt  }
0x6b: {  	_ =	shalt  }
0x6c: {  	_ =	shalt  }
0x6d: {  	_ =	shalt  }
0x6e: {  	_ =	shalt  }
0x6f: {  	_ =	shalt  }
0x70: {  	_ =	shalt  }
0x71: {  	_ =	shalt  }
0x72: {  	_ =	shalt  }
0x73: {  	_ =	shalt  }
0x74: {  	_ =	shalt  }
0x75: {  	_ =	shalt  }
0x76: {  	_ =	shalt  }
0x77: {  	_ =	shalt  }
0x78: {  	_ =	shalt  }
0x79: {  	_ =	shalt  }
0x7a: {  	_ =	shalt  }
0x7b: {  	_ =	shalt  }
0x7c: {  	_ =	shalt  }
0x7d: {  	_ =	shalt  }
0x7e: {  	_ =	shalt  }
0x7f: {  	_ =	shalt  }
0x80: {  	_ =	shalt  }
0x81: {  	_ =	shalt  }
0x82: {  	_ =	shalt  }
0x83: {  	_ =	shalt  }
0x84: {  	_ =	shalt  }
0x85: {  	_ =	shalt  }
0x86: {  	_ =	shalt  }
0x87: {  	_ =	shalt  }
.Lfunc_end0:
.L_simem_size_0:
called_computation_lowered:
.L_overlay_start_0:
0x88: {  	s2 =	sld [smem:$0x3FD9]  }
0x89: {  	s3 =	sld [smem:$0x3FFE];
	_ =	sdelay $0x1  }
0x8a: {  	s1 =	srdreg.scid  }
0x8b: {  	s0 =	sand.u32 $0x1, s1  }
0x8c: {  	s18 =	sshll.u32 s0, $0xA;
	s2 =	sadd.s32 s3, s2  }
0x8d: {  	s2 =	sadd.s32 s2, s18  }
0x8e: {  	[smem:$0x3FC5] =	sst s2  }
0x8f: {  	_ = 	snop  }
0x90: {  	s2 =	sld [smem:$0x3FC9]  }
0x91: {  	s19 =	sld [smem:$0x3FC8]  }
0x92: {  	s4 =	sld [smem:$0x3FC7]  }
0x93: {  	s5 =	sld [smem:$0x3FD0];
	(tm) =	ssettm $0x1  }
0x94: {  	s6 =	sld [smem:$0x3FFB];
	_ =	sdelay $0x3  }
0x95: {  	_ =	strace s6  }
0x96: {  	s6 =	sld [smem:$0x3FFC];
	_ =	sdelay $0x3  }
0x97: {  	_ =	strace s6  }
0x98: {  	s6 =	sld [smem:$0x3FFD];
	_ =	sdelay $0x3  }
0x99: {  	_ =	strace s6  }
0x9a: {  	_ =	strace $0x8FFFFFFF  }
0x9b: {  	s20 =	sld [smem:$0x3FDB];
	_ =	sdelay $0x1  }
0x9c: {  	s7 =	simm.s32 $_scs_section_size  }
0x9d: {  	s8 =	simm.s32 $_size__tile_overlayer_lowered;
	s9 =	simm.s32 $_tile_overlayer_lowered  }
0x9e: {  	s23 =	simm.s32 $0x1BFF;
	s22 =	sshll.u32 s9, $0x1;
	s6 =	sadd.s32 s7, s20  }
0x9f: {  	s10 =	simm.s32 $0x0;
	s21 =	sshll.u32 s8, $0x1;
	s8 =	sadd.s32 s22, s6  }
0xa0: {  	[timem:s10], [sflag:s23] =	dma.local [hbm:s8], s21  }
0xa1: {  	_ =	swait.ge [sflag:s23], s21  }
0xa2: {  	s7 =	ssub.s32 $0x0, s21;
	[sflag:s23] =	ssyncset.done $0x0  }
0xa3: {  	[sflag:s23] =	ssyncadd.s32 s7;
	_ =	sdelay $0x1  }
0xa4: {  	s24 =	simm.s32 $0x1B8B  }
0xa5: {  	_ =	swait.ge [sflag:s24], $0x1  }
0xa6: {  	[sflag:s24] =	ssyncset.done $0x0  }
0xa7: {  	s25 =	simm.s32 $0x1B8E;
	[sflag:s24] =	ssyncadd.s32 $0xFFFFFFFF  }
0xa8: {  	s26 =	simm.s32 $execute0_lowered;
	[smem:$0x3FD2] =	sst s25  }
0xa9: {  	s7 =	sshll.u32 s26, $0x1;
	_ =	strace $0x80000046;
	[dreg:$0x1] =	wrdreg $0xFFFFFFFF  }
0xaa: {  	s28 =	simm.s32 $_size_execute0_lowered;
	s6 =	sadd.s32 s6, s7;
	[dreg:$0x0] =	wrdreg $0x0  }
0xab: {  	s7 =	sshll.u32 s28, $0x1;
	[dreg:$0x2] =	wrdreg s6  }
0xac: {  	[dreg:$0x3] =	wrdreg s7  }
0xad: {  	[dreg:$0x4] =	wrdreg $0xC0  }
0xae: {  	_ =	task [dreg:s10], $0x5FFFF  }
0xaf: {  	[dreg:$0x1] =	wrdreg $0xFFFFFFFF  }
0xb0: {  	[dreg:$0x0] =	wrdreg $0x60  }
0xb1: {  	[dreg:$0x2] =	wrdreg s2  }
0xb2: {  	[dreg:$0x3] =	wrdreg s19  }
0xb3: {  	[dreg:$0x4] =	wrdreg s4  }
0xb4: {  	[dreg:$0x5] =	wrdreg s5  }
0xb5: {  	[dreg:$0x6] =	wrdreg $0x0  }
0xb6: {  	[dreg:$0x7] =	wrdreg $0x9  }
0xb7: {  	_ =	task.clear_ibuf [dreg:s10], $0x8FFFF;
	_ =	strace $0x90000046  }
0xb8: {  	s29 =	simm.s32 $0x9;
	_ =	strace $0x80000048  }
0xb9: {  	_ =	swait.ge [sflag:s29], $0x1  }
0xba: {  	[sflag:s29] =	ssyncadd.s32 $0xFFFFFFFF  }
0xbb: {  	_ =	strace $0x90000048  }
0xbc: {  	_ =	sfence  }
0xbd: {  	s30 =	sld [smem:$0x0];
	_ =	sdelay $0x2  }
0xbe: {  	s31 =	sshll.u32 s1, $0xD;
	s1 =	sshrl.u32 s1, $0x2  }
0xbf: {  	s3 =	sand.u32 $0x4000, s31;
	s1 =	sadd.s32 s1, s30  }
0xc0: {  	s0 =	sor.u32 s3, s0;
	s1 =	sshll.u32 s1, $0x11  }
0xc1: {  	s0 =	sor.u32 s1, s0  }
0xc2: {  	s0 =	sadd.s32 $0x8F2B, s0  }
0xc3: {  	[sflag:s0] =	ssyncadd.remote.s32 $0x1  }
0xc4: {  	_ =	sfence.sel $0xFFFF  }
0xc5: {  	[dreg:$0x0] =	wrdreg $0xFFFFFFFF;
	(pc) =	sbr.abs _section_cstart, $3  }
0xc6: {  	[dreg:$0x1] =	wrdreg $0xFFFFFFFF  }
0xc7: {  	_ =	task.clear_ibuf [dreg:s10], $0x2FFFF;
	_ =	strace $0x9FFFFFFF  }
0xc8: {  	(tm) =	ssettm $0x7FFFFFFF  }
0xc9: {  	_ =	shalt  }
tec
execute0_lowered:
.L_overlay_start_1:
0x0: {  	(tag) =	ssettag $0x1  }
0x1: {  	s0 =	rddreg [dreg:$0x1]  }
0x2: {  	s1 =	rddreg [dreg:$0x2]  }
0x3: {  	s6 =	rddreg [dreg:$0x3]  }
0x4: {  	s2 =	rddreg [dreg:$0x4]  }
0x5: {  	s3 =	srdreg.scid;
	s7 =	stileid.u32  }
0x6: {  	s10 =	simm.s32 $0x6;
	s12 =	simm.s32 $0x10;
	s13 =	simm.s32 $0x18780  }
0x7: {  	s14 =	simm.s32 $0x1AF80;
	s16 =	simm.s32 $0x18F80;
	s18 =	simm.s32 $0x1B780  }
0x8: {  	s20 =	simm.s32 $0x19780;
	s22 =	simm.s32 $0x1BF80;
	s24 =	simm.s32 $0x19F80  }
0x9: {  	s28 =	simm.s32 $0x1A780;
	s29 =	simm.s32 $0x1CF80;
	s30 =	simm.s32 $0x1  }
0xa: {  	s31 =	simm.s32 $0x2;
	s4 =	sand.u32 $0x1, s3;
	s5 =	sshll.u32 s7, $0x1  }
0xb: {  	s15 =	simm.s32 $0x5;
	s8 =	ssub.s32 $0x2, s4;
	s4 =	sor.u32 s4, s5  }
0xc: {  	s19 =	simm.s32 $0x0;
	s3 =	simm.s32 $0x0;
	s9 =	smul.u32 $0x4E2, s4  }
0xd: {  	p0 =	sne.s32 s7, $0x0;
	[smem:$0x7FF] =	sst s3;
	s25 =	sshrl.u32 s8, $0x1  }
0xe: {  	_ =	strace $0x80000047;
	s8 =	ssub.s32 s8, s25;
	s0 =	sadd.s32 s0, s9  }
0xf: {  	s26 =	sadd.s32 s1, s9;
	s6 =	sadd.s32 s6, s9;
	s7 =	smax.u32 s8, $0x1  }
0x10: {  	v0 =	vlaneseq.u32;
	s8 =	sshrl.u32 @!p0 s2, $0x3;
	s1 =	simm.s32 $0x3;
	[dreg:$0x6] =	wrdreg s0  }
0x11: {  	v0 =	vmul.u32 $0x80, v0;
	[dreg:$0x7] =	wrdreg s26;
	s26 =	simm.s32 $0x1C780;
	s0 =	simm.s32 $0x4  }
.LBB2_1:
0x12: {  	s9 =	simm.s32 @!p0 $0x1C06;
	s4 =	rddreg [dreg:$0x0]  }
0x13: {  	[spmem:s8], [sflag:s9] =	dma.local @!p0 [hbm:s4], $0x27100  }
0x14: {  	s9 =	simm.s32 @!p0 $0x6  }
0x15: {  	_ =	swait.ge @!p0 [sflag:s9], $0x27100  }
0x16: {  	[sflag:s9] =	ssyncset.done @!p0 $0x0  }
0x17: {  	s5 =	simm.s32 $0x13880;
	s21 =	rddreg [dreg:$0x6];
	[sflag:s9] =	ssyncadd.s32 @!p0 $0xFFFD8F00  }
0x18: {  	[tilespmem:s5], [sflag:$0x6] =	stream.linear.gather [hbm4b:s21+s3], $0x2710, $0x38;
	[tilespmem:$0x1FF00] =	vst v63  }
0x19: {  	_ =	swait.ge [sflag:s10], $0x2710  }
0x1a: {  	[sflag:s10] =	ssyncset.done $0x0  }
0x1b: {  	s25 =	simm.s32 $0x16000;
	s23 =	rddreg [dreg:$0x7];
	[sflag:s10] =	ssyncadd.s32 $0xFFFFD8F0  }
0x1c: {  	[tilespmem:s25], [sflag:$0x6] =	stream.linear.gather [hbm4b:s23+s3], $0x2710, $0x38;
	[tilespmem:$0x1FF00] =	vst v63  }
0x1d: {  	_ =	swait.ge [sflag:s10], $0x2710  }
0x1e: {  	[sflag:s10] =	ssyncset.done $0x0  }
0x1f: {  	[sflag:s10] =	ssyncadd.s32 $0xFFFFD8F0  }
0x20: {  	[bflag:$0x0] =	sbarrier.arrive $0xFFFF  }
0x21: {  	[tilespmem:s13], [sflag:$0x1] =	stream.indirect.gather [spmem:s2], $0x80, s5, s12, $0xb8;
	[tilespmem:$0x1FF00] =	vst v63  }
0x22: {  	_ = 	snop  }
0x23: {  	[tilespmem:s14], [sflag:$0x1] =	stream.indirect.gather [spmem:s2], $0x80, s25, s12, $0xb8;
	[tilespmem:$0x1FF00] =	vst v63  }
0x24: {  	s9 =	simm.s32 $0x13890  }
0x25: {  	[tilespmem:s16], [sflag:$0x2] =	stream.indirect.gather [spmem:s2], $0x80, s9, s12, $0xb8;
	[tilespmem:$0x1FF00] =	vst v63  }
0x26: {  	s11 =	simm.s32 $0x16010  }
0x27: {  	[tilespmem:s18], [sflag:$0x2] =	stream.indirect.gather [spmem:s2], $0x80, s11, s12, $0xb8;
	[tilespmem:$0x1FF00] =	vst v63  }
0x28: {  	s17 =	simm.s32 $0x138A0  }
0x29: {  	[tilespmem:s20], [sflag:$0x3] =	stream.indirect.gather [spmem:s2], $0x80, s17, s12, $0xb8;
	[tilespmem:$0x1FF00] =	vst v63  }
0x2a: {  	s21 =	simm.s32 $0x16020  }
0x2b: {  	[tilespmem:s22], [sflag:$0x3] =	stream.indirect.gather [spmem:s2], $0x80, s21, s12, $0xb8;
	[tilespmem:$0x1FF00] =	vst v63  }
0x2c: {  	s23 =	simm.s32 $0x138B0  }
0x2d: {  	[tilespmem:s24], [sflag:$0x4] =	stream.indirect.gather [spmem:s2], $0x80, s23, s12, $0xb8;
	[tilespmem:$0x1FF00] =	vst v63  }
0x2e: {  	s25 =	simm.s32 $0x16030;
	s21 =	simm.s32 $0x0  }
0x2f: {  	[tilespmem:s26], [sflag:$0x4] =	stream.indirect.gather [spmem:s2], $0x80, s25, s12, $0xb8;
	[tilespmem:$0x1FF00] =	vst v63  }
.LBB2_2:
0x30: {  	s9 =	smul.u32 $0x5, s21;
	_ =	sdelay $0x1  }
0x31: {  	s9 =	sadd.s32 $0x4, s9  }
0x32: {  	s23 =	sshll.u32 s9, $0x4  }
0x33: {  	s17 =	simm.s32 $0x0;
	s9 =	sadd.s32 $0x13880, s23  }
0x34: {  	v1 =	vmov s17;
	[tilespmem:s28], [sflag:$0x5] =	stream.indirect.gather [spmem:s2], $0x80, s9, s12, $0xb8;
	[tilespmem:$0x1FF00] =	vst v63  }
0x35: {  	v1 =	vand.u32 $0x7F, v1;
	s11 =	sadd.s32 $0x16000, s23  }
0x36: {  	v1 =	vbroadcast v1, $0x0;
	[tilespmem:s29], [sflag:$0x5] =	stream.indirect.gather [spmem:s2], $0x80, s11, s12, $0xb8;
	[tilespmem:$0x1FF00] =	vst v63  }
0x37: {  	_ =	swait.ge [sflag:s30], $0x800  }
0x38: {  	s17 =	simm.s32 $0x1;
	v1 =	vor.u32 v0, v1;
	[sflag:s30] =	ssyncset.done $0x0  }
0x39: {  	v2 =	vmov s17;
	[sflag:s30] =	ssyncadd.s32 $0xFFFFF800  }
0x3a: {  	v2 =	vand.u32 $0x7F, v2;
	_ =	swait.ge [sflag:s30], $0x800  }
0x3b: {  	v2 =	vbroadcast v2, $0x0;
	[sflag:s30] =	ssyncset.done $0x0  }
0x3c: {  	[sflag:s30] =	ssyncadd.s32 $0xFFFFF800  }
0x3d: {  	v3 =	vor.u32 v0, v2;
	v5 =	vld.idx.msk [tilespmem:v1+s13+$0x0], $0xffff  }
0x3e: {  	s25 =	simm.s32 $0x2;
	v6 =	vld.idx.msk [tilespmem:v1+s14+$0x0], $0xffff  }
0x3f: {  	v1 =	vmov s25  }
0x40: {  	v1 =	vand.u32 $0x7F, v1  }
0x41: {  	v4 =	vbroadcast v1, $0x0  }
0x42: {  	v1 =	vld.idx.msk [tilespmem:v3+s13+$0x0], $0xffff  }
0x43: {  	s17 =	simm.s32 $0x3;
	v2 =	vimm.f32 $0.0e+00;
	v3 =	vld.idx.msk [tilespmem:v3+s14+$0x0], $0xffff;
	v4 =	vor.u32 v0, v4;
	v5 =	vmul.f32 v6, v5  }
.LBB2_3:
0x44: {  	p1 =	sne.s32 s17, $0x7F  }
.Ltmp0:
0x45: {  	v6 =	vmov s17;
	v2 =	vadd.f32 v5, v2;
	(pc) =	sbr.rel @p1 .LBB2_3-.Ltmp0, $4  }
0x46: {  	s17 =	sadd.s32 $0x1, s17;
	v7 =	vand.u32 $0x7F, v6  }
0x47: {  	v6 =	vbroadcast v7, $0x0  }
0x48: {  	v5 =	vmov v1;
	v1 =	vld.idx.msk [tilespmem:v4+s13+$0x0], $0xffff  }
0x49: {  	v5 =	vmul.f32 v3, v5;
	v3 =	vld.idx.msk [tilespmem:v4+s14+$0x0], $0xffff;
	v4 =	vor.u32 v0, v6  }
0x4a: {  	_ =	sdelay $0x3  }
0x4b: {  	v6 =	vld.idx.msk [tilespmem:v4+s13+$0x0], $0xffff  }
0x4c: {  	v4 =	vld.idx.msk [tilespmem:v4+s14+$0x0], $0xffff;
	_ =	sdelay $0x2  }
0x4d: {  	v2 =	vadd.f32 v5, v2;
	v1 =	vmul.f32 v3, v1;
	_ =	sdelay $0x1  }
0x4e: {  	v1 =	vadd.f32 v1, v2;
	v2 =	vmul.f32 v4, v6  }
0x4f: {  	s9 =	smul.u32 $0x140, s21;
	p1 =	seq.s32 s21, $0x7C  }
0x50: {  	s25 =	smul.u32 @!p1 $0x50, s21;
	v1 =	vadd.f32 v2, v1  }
0x51: {  	s11 =	simm.s32 $0x0;
	s17 =	sshra.s32 s9, $0x2  }
0x52: {  	s4 =	simm.s32 @!p1 $0x10;
	s5 =	simm.s32 @!p1 $0x18780;
	s9 =	sadd.s32 @!p1 $0x138D0, s25;
	[tilespmem:s17+$0x1D780] =	vst v1  }
0x53: {  	v1 =	vmov s11;
	[tilespmem:s5], [sflag:$0x1] =	stream.indirect.gather @!p1 [spmem:s2], $0x80, s9, s4, $0xb8;
	[tilespmem:$0x1FF00] =	vst v63  }
0x54: {  	s5 =	sadd.s32 @!p1 $0x16050, s25;
	s9 =	simm.s32 @!p1 $0x1AF80;
	v1 =	vand.u32 $0x7F, v1  }
0x55: {  	v1 =	vbroadcast v1, $0x0;
	[tilespmem:s9], [sflag:$0x1] =	stream.indirect.gather @!p1 [spmem:s2], $0x80, s5, s4, $0xb8;
	[tilespmem:$0x1FF00] =	vst v63  }
0x56: {  	_ =	swait.ge [sflag:s31], $0x800  }
0x57: {  	s9 =	simm.s32 $0x1;
	v1 =	vor.u32 v0, v1;
	[sflag:s31] =	ssyncset.done $0x0  }
0x58: {  	v2 =	vmov s9;
	[sflag:s31] =	ssyncadd.s32 $0xFFFFF800  }
0x59: {  	v2 =	vand.u32 $0x7F, v2;
	_ =	swait.ge [sflag:s31], $0x800  }
0x5a: {  	v2 =	vbroadcast v2, $0x0;
	[sflag:s31] =	ssyncset.done $0x0  }
0x5b: {  	[sflag:s31] =	ssyncadd.s32 $0xFFFFF800  }
0x5c: {  	v3 =	vor.u32 v0, v2;
	v5 =	vld.idx.msk [tilespmem:v1+s16+$0x0], $0xffff  }
0x5d: {  	s11 =	simm.s32 $0x2;
	v6 =	vld.idx.msk [tilespmem:v1+s18+$0x0], $0xffff  }
0x5e: {  	v1 =	vmov s11  }
0x5f: {  	v1 =	vand.u32 $0x7F, v1  }
0x60: {  	v4 =	vbroadcast v1, $0x0  }
0x61: {  	v1 =	vld.idx.msk [tilespmem:v3+s16+$0x0], $0xffff  }
0x62: {  	s9 =	simm.s32 $0x3;
	v2 =	vimm.f32 $0.0e+00;
	v3 =	vld.idx.msk [tilespmem:v3+s18+$0x0], $0xffff;
	v4 =	vor.u32 v0, v4;
	v5 =	vmul.f32 v6, v5  }
.LBB2_5:
0x63: {  	p2 =	sne.s32 s9, $0x7F  }
.Ltmp1:
0x64: {  	v6 =	vmov s9;
	v2 =	vadd.f32 v5, v2;
	(pc) =	sbr.rel @p2 .LBB2_5-.Ltmp1, $4  }
0x65: {  	s9 =	sadd.s32 $0x1, s9;
	v7 =	vand.u32 $0x7F, v6  }
0x66: {  	v6 =	vbroadcast v7, $0x0  }
0x67: {  	v5 =	vmov v1;
	v1 =	vld.idx.msk [tilespmem:v4+s16+$0x0], $0xffff  }
0x68: {  	v5 =	vmul.f32 v3, v5;
	v3 =	vld.idx.msk [tilespmem:v4+s18+$0x0], $0xffff;
	v4 =	vor.u32 v0, v6  }
0x69: {  	_ =	sdelay $0x3  }
0x6a: {  	v6 =	vld.idx.msk [tilespmem:v4+s16+$0x0], $0xffff  }
0x6b: {  	v4 =	vld.idx.msk [tilespmem:v4+s18+$0x0], $0xffff;
	_ =	sdelay $0x2  }
0x6c: {  	v2 =	vadd.f32 v5, v2;
	v1 =	vmul.f32 v3, v1;
	_ =	sdelay $0x1  }
0x6d: {  	v1 =	vadd.f32 v1, v2;
	v2 =	vmul.f32 v4, v6;
	_ =	sdelay $0x1  }
0x6e: {  	v1 =	vadd.f32 v2, v1  }
0x6f: {  	s4 =	sadd.s32 @!p1 $0x138E0, s25  }
0x70: {  	s5 =	simm.s32 @!p1 $0x10;
	s9 =	simm.s32 @!p1 $0x18F80;
	s11 =	simm.s32 $0x0;
	[tilespmem:s17+$0x1D790] =	vst v1  }
0x71: {  	v1 =	vmov s11;
	[tilespmem:s9], [sflag:$0x2] =	stream.indirect.gather @!p1 [spmem:s2], $0x80, s4, s5, $0xb8;
	[tilespmem:$0x1FF00] =	vst v63  }
0x72: {  	s4 =	sadd.s32 @!p1 $0x16060, s25;
	s9 =	simm.s32 @!p1 $0x1B780;
	v1 =	vand.u32 $0x7F, v1  }
0x73: {  	v1 =	vbroadcast v1, $0x0;
	[tilespmem:s9], [sflag:$0x2] =	stream.indirect.gather @!p1 [spmem:s2], $0x80, s4, s5, $0xb8;
	[tilespmem:$0x1FF00] =	vst v63  }
0x74: {  	_ =	swait.ge [sflag:s1], $0x800  }
0x75: {  	s9 =	simm.s32 $0x1;
	v1 =	vor.u32 v0, v1;
	[sflag:s1] =	ssyncset.done $0x0  }
0x76: {  	v2 =	vmov s9;
	[sflag:s1] =	ssyncadd.s32 $0xFFFFF800  }
0x77: {  	v2 =	vand.u32 $0x7F, v2;
	_ =	swait.ge [sflag:s1], $0x800  }
0x78: {  	v2 =	vbroadcast v2, $0x0;
	[sflag:s1] =	ssyncset.done $0x0  }
0x79: {  	[sflag:s1] =	ssyncadd.s32 $0xFFFFF800  }
0x7a: {  	v3 =	vor.u32 v0, v2;
	v5 =	vld.idx.msk [tilespmem:v1+s20+$0x0], $0xffff  }
0x7b: {  	s11 =	simm.s32 $0x2;
	v6 =	vld.idx.msk [tilespmem:v1+s22+$0x0], $0xffff  }
0x7c: {  	v1 =	vmov s11  }
0x7d: {  	v1 =	vand.u32 $0x7F, v1  }
0x7e: {  	v4 =	vbroadcast v1, $0x0  }
0x7f: {  	v1 =	vld.idx.msk [tilespmem:v3+s20+$0x0], $0xffff  }
0x80: {  	s9 =	simm.s32 $0x3;
	v2 =	vimm.f32 $0.0e+00;
	v3 =	vld.idx.msk [tilespmem:v3+s22+$0x0], $0xffff;
	v4 =	vor.u32 v0, v4;
	v5 =	vmul.f32 v6, v5  }
.LBB2_7:
0x81: {  	p2 =	sne.s32 s9, $0x7F  }
.Ltmp2:
0x82: {  	v6 =	vmov s9;
	v2 =	vadd.f32 v5, v2;
	(pc) =	sbr.rel @p2 .LBB2_7-.Ltmp2, $4  }
0x83: {  	s9 =	sadd.s32 $0x1, s9;
	v7 =	vand.u32 $0x7F, v6  }
0x84: {  	v6 =	vbroadcast v7, $0x0  }
0x85: {  	v5 =	vmov v1;
	v1 =	vld.idx.msk [tilespmem:v4+s20+$0x0], $0xffff  }
0x86: {  	v5 =	vmul.f32 v3, v5;
	v3 =	vld.idx.msk [tilespmem:v4+s22+$0x0], $0xffff;
	v4 =	vor.u32 v0, v6  }
0x87: {  	_ =	sdelay $0x3  }
0x88: {  	v6 =	vld.idx.msk [tilespmem:v4+s20+$0x0], $0xffff  }
0x89: {  	v4 =	vld.idx.msk [tilespmem:v4+s22+$0x0], $0xffff;
	_ =	sdelay $0x2  }
0x8a: {  	v2 =	vadd.f32 v5, v2;
	v1 =	vmul.f32 v3, v1;
	_ =	sdelay $0x1  }
0x8b: {  	v1 =	vadd.f32 v1, v2;
	v2 =	vmul.f32 v4, v6;
	_ =	sdelay $0x1  }
0x8c: {  	v1 =	vadd.f32 v2, v1  }
0x8d: {  	s4 =	sadd.s32 @!p1 $0x138F0, s25  }
0x8e: {  	s5 =	simm.s32 @!p1 $0x10;
	s9 =	simm.s32 @!p1 $0x19780;
	s11 =	simm.s32 $0x0;
	[tilespmem:s17+$0x1D7A0] =	vst v1  }
0x8f: {  	v1 =	vmov s11;
	[tilespmem:s9], [sflag:$0x3] =	stream.indirect.gather @!p1 [spmem:s2], $0x80, s4, s5, $0xb8;
	[tilespmem:$0x1FF00] =	vst v63  }
0x90: {  	s4 =	sadd.s32 @!p1 $0x16070, s25;
	s9 =	simm.s32 @!p1 $0x1BF80;
	v1 =	vand.u32 $0x7F, v1  }
0x91: {  	v1 =	vbroadcast v1, $0x0;
	[tilespmem:s9], [sflag:$0x3] =	stream.indirect.gather @!p1 [spmem:s2], $0x80, s4, s5, $0xb8;
	[tilespmem:$0x1FF00] =	vst v63  }
0x92: {  	_ =	swait.ge [sflag:s0], $0x800  }
0x93: {  	s9 =	simm.s32 $0x1;
	v1 =	vor.u32 v0, v1;
	[sflag:s0] =	ssyncset.done $0x0  }
0x94: {  	v2 =	vmov s9;
	[sflag:s0] =	ssyncadd.s32 $0xFFFFF800  }
0x95: {  	v2 =	vand.u32 $0x7F, v2;
	_ =	swait.ge [sflag:s0], $0x800  }
0x96: {  	v2 =	vbroadcast v2, $0x0;
	[sflag:s0] =	ssyncset.done $0x0  }
0x97: {  	[sflag:s0] =	ssyncadd.s32 $0xFFFFF800  }
0x98: {  	v3 =	vor.u32 v0, v2;
	v5 =	vld.idx.msk [tilespmem:v1+s24+$0x0], $0xffff  }
0x99: {  	s11 =	simm.s32 $0x2;
	v6 =	vld.idx.msk [tilespmem:v1+s26+$0x0], $0xffff  }
0x9a: {  	v1 =	vmov s11  }
0x9b: {  	v1 =	vand.u32 $0x7F, v1  }
0x9c: {  	v4 =	vbroadcast v1, $0x0  }
0x9d: {  	v1 =	vld.idx.msk [tilespmem:v3+s24+$0x0], $0xffff  }
0x9e: {  	s9 =	simm.s32 $0x3;
	v2 =	vimm.f32 $0.0e+00;
	v3 =	vld.idx.msk [tilespmem:v3+s26+$0x0], $0xffff;
	v4 =	vor.u32 v0, v4;
	v5 =	vmul.f32 v6, v5  }
.LBB2_9:
0x9f: {  	p2 =	sne.s32 s9, $0x7F  }
.Ltmp3:
0xa0: {  	v6 =	vmov s9;
	v2 =	vadd.f32 v5, v2;
	(pc) =	sbr.rel @p2 .LBB2_9-.Ltmp3, $4  }
0xa1: {  	s9 =	sadd.s32 $0x1, s9;
	v7 =	vand.u32 $0x7F, v6  }
0xa2: {  	v6 =	vbroadcast v7, $0x0  }
0xa3: {  	v5 =	vmov v1;
	v1 =	vld.idx.msk [tilespmem:v4+s24+$0x0], $0xffff  }
0xa4: {  	v5 =	vmul.f32 v3, v5;
	v3 =	vld.idx.msk [tilespmem:v4+s26+$0x0], $0xffff;
	v4 =	vor.u32 v0, v6  }
0xa5: {  	_ =	sdelay $0x3  }
0xa6: {  	v6 =	vld.idx.msk [tilespmem:v4+s24+$0x0], $0xffff  }
0xa7: {  	v4 =	vld.idx.msk [tilespmem:v4+s26+$0x0], $0xffff;
	_ =	sdelay $0x2  }
0xa8: {  	v2 =	vadd.f32 v5, v2;
	v1 =	vmul.f32 v3, v1;
	_ =	sdelay $0x1  }
0xa9: {  	v1 =	vadd.f32 v1, v2;
	v2 =	vmul.f32 v4, v6;
	_ =	sdelay $0x1  }
0xaa: {  	v1 =	vadd.f32 v2, v1  }
0xab: {  	s4 =	sadd.s32 @!p1 $0x13900, s25  }
0xac: {  	s5 =	simm.s32 @!p1 $0x10;
	s9 =	simm.s32 @!p1 $0x19F80;
	s11 =	simm.s32 $0x0;
	[tilespmem:s17+$0x1D7B0] =	vst v1  }
0xad: {  	v1 =	vmov s11;
	[tilespmem:s9], [sflag:$0x4] =	stream.indirect.gather @!p1 [spmem:s2], $0x80, s4, s5, $0xb8;
	[tilespmem:$0x1FF00] =	vst v63  }
0xae: {  	s4 =	sadd.s32 @!p1 $0x16080, s25;
	s9 =	simm.s32 @!p1 $0x1C780;
	v1 =	vand.u32 $0x7F, v1  }
0xaf: {  	v1 =	vbroadcast v1, $0x0;
	[tilespmem:s9], [sflag:$0x4] =	stream.indirect.gather @!p1 [spmem:s2], $0x80, s4, s5, $0xb8;
	[tilespmem:$0x1FF00] =	vst v63  }
0xb0: {  	_ =	swait.ge [sflag:s15], $0x800  }
0xb1: {  	s17 =	simm.s32 $0x1;
	v1 =	vor.u32 v0, v1;
	[sflag:s15] =	ssyncset.done $0x0  }
0xb2: {  	v2 =	vmov s17;
	[sflag:s15] =	ssyncadd.s32 $0xFFFFF800  }
0xb3: {  	v2 =	vand.u32 $0x7F, v2;
	_ =	swait.ge [sflag:s15], $0x800  }
0xb4: {  	v2 =	vbroadcast v2, $0x0;
	[sflag:s15] =	ssyncset.done $0x0  }
0xb5: {  	[sflag:s15] =	ssyncadd.s32 $0xFFFFF800  }
0xb6: {  	v3 =	vor.u32 v0, v2;
	v5 =	vld.idx.msk [tilespmem:v1+s28+$0x0], $0xffff  }
0xb7: {  	s25 =	simm.s32 $0x2;
	v6 =	vld.idx.msk [tilespmem:v1+s29+$0x0], $0xffff  }
0xb8: {  	v1 =	vmov s25  }
0xb9: {  	v1 =	vand.u32 $0x7F, v1  }
0xba: {  	v4 =	vbroadcast v1, $0x0  }
0xbb: {  	v1 =	vld.idx.msk [tilespmem:v3+s28+$0x0], $0xffff  }
0xbc: {  	s9 =	simm.s32 $0x3;
	v2 =	vimm.f32 $0.0e+00;
	v3 =	vld.idx.msk [tilespmem:v3+s29+$0x0], $0xffff;
	v4 =	vor.u32 v0, v4;
	v5 =	vmul.f32 v6, v5  }
.LBB2_11:
0xbd: {  	p1 =	sne.s32 s9, $0x7F  }
.Ltmp4:
0xbe: {  	v6 =	vmov s9;
	v2 =	vadd.f32 v5, v2;
	(pc) =	sbr.rel @p1 .LBB2_11-.Ltmp4, $4  }
0xbf: {  	s9 =	sadd.s32 $0x1, s9;
	v7 =	vand.u32 $0x7F, v6  }
0xc0: {  	v6 =	vbroadcast v7, $0x0  }
0xc1: {  	v5 =	vmov v1;
	v1 =	vld.idx.msk [tilespmem:v4+s28+$0x0], $0xffff  }
0xc2: {  	v5 =	vmul.f32 v3, v5;
	v3 =	vld.idx.msk [tilespmem:v4+s29+$0x0], $0xffff;
	v4 =	vor.u32 v0, v6  }
0xc3: {  	_ =	sdelay $0x3  }
0xc4: {  	v6 =	vld.idx.msk [tilespmem:v4+s28+$0x0], $0xffff  }
0xc5: {  	v63 =	vld.idx.msk [tilespmem:v4+s29+$0x0], $0xffff;
	_ =	sdelay $0x2  }
0xc6: {  	s21 =	sadd.s32 $0x1, s21;
	v2 =	vadd.f32 v5, v2;
	v1 =	vmul.f32 v3, v1  }
0xc7: {  	p1 =	sne.s32 s21, $0x7D  }
.Ltmp5:
0xc8: {  	v1 =	vadd.f32 v1, v2;
	v2 =	vmul.f32 v63, v6;
	(pc) =	sbr.rel @p1 .LBB2_2-.Ltmp5, $4  }
0xc9: {  	_ = 	snop  }
0xca: {  	v1 =	vadd.f32 v2, v1  }
0xcb: {  	s4 =	sand.u32 $0x3FFFFFF0, s23  }
0xcc: {  	[tilespmem:s4+$0x1D780] =	vst v1  }
0xcd: {  	s19 =	sadd.s32 $0x1, s19  }
0xce: {  	p1 =	sne.s32 s19, s7  }
.Ltmp6:
0xcf: {  	s4 =	simm.s32 $0x1D780;
	(pc) =	sbr.rel @p1 .LBB2_1-.Ltmp6, $4  }
0xd0: {  	[hbm4b:s6+s3] =	stream.linear.scatter [tilespmem:s4], [sflag:$0x6], $0x2710, $0x38;
	[tilespmem:$0x1FF00] =	vst v63  }
0xd1: {  	_ =	swait.ge [sflag:s10], $0x2710  }
0xd2: {  	[sflag:s10] =	ssyncset.done $0x0  }
0xd3: {  	[sflag:s10] =	ssyncadd.s32 $0xFFFFD8F0  }
0xd4: {  	_ =	sfence.sel $0x180000  }
0xd5: {  	[bflag:$0x0] =	sbarrier.arrive $0xFFFF  }
0xd6: {  	_ =	strace $0x90000047  }
0xd7: {  	[bflag:$0x2] =	sbarrier.arrive $0xFFFF  }
0xd8: {  	s0 =	rddreg [dreg:$0x5]  }
0xd9: {  	s0 =	sadd.s32 @!p0 $0x100000, s0  }
0xda: {  	[sflag:s0] =	ssyncadd.tile.s32 @!p0 $0x1;
	_ =	shalt  }
.Lfunc_end2:
_tile_overlayer_lowered:
.L_overlay_start_2:
0xdb: {  	(tag) =	ssettag $0x2  }
0xdc: {  	s0 =	rddreg [dreg:$0x0];
	s2 =	stileid.u32  }
0xdd: {  	s1 =	rddreg [dreg:$0x1];
	p0 =	sne.s32 s2, $0x0  }
0xde: {  	s3 =	rddreg [dreg:$0x2];
	[bflag:$0x3] =	sbarrier.arrive $0xFFFF;
	s2 =	simm.s32 @!p0 $0x1C06  }
0xdf: {  	[timem:s3], [sflag:s2] =	dma.local @!p0 [hbm:s0], s1  }
0xe0: {  	s0 =	simm.s32 @!p0 $0x6  }
0xe1: {  	_ =	swait.ge @!p0 [sflag:s0], s1  }
0xe2: {  	s1 =	ssub.s32 @!p0 $0x0, s1;
	[sflag:s0] =	ssyncset.done @!p0 $0x0  }
0xe3: {  	[sflag:s0] =	ssyncadd.s32 @!p0 s1  }
0xe4: {  	[bflag:$0x3] =	sbarrier.arrive $0xFFFF  }
0xe5: {  	_ =	shalt  }

</sc_bundles>
